<compile_context>
chip_gen: v7x
topology: tpu7x:2x2x1
jax: 0.10.2.dev20260603
libtpu: 0.0.44.dev20260713+nightly
codegen_flags: <defaults>
</compile_context>

<pallas_src>
import functools

import jax
import jax.numpy as jnp
from jax import lax
from jax.experimental import pallas as pl
from jax.experimental.pallas import tpu as pltpu
from jax.experimental.pallas import tpu_sc as plsc

N_NODES = 10000
N_EDGES = 320000
D = 128

NC = 2
NS = 16
NW = NC * NS

N_PAD = 10240
E_PAD = 327680
EPT = E_PAD // NW
EB = 128
NB = EPT // EB
HNB = NB // 2
ROWS_PT = N_PAD // NS
RB = ROWS_PT // EB
HW = 16

_mesh = plsc.VectorSubcoreMesh(core_axis_name="c", subcore_axis_name="s")


@functools.partial(
    pl.kernel,
    out_type=jax.ShapeDtypeStruct((NC, N_PAD, HW), jnp.float32),
    mesh=_mesh,
    scratch_types=[
        pltpu.VMEM((NB, EB), jnp.int32),
        pltpu.VMEM((EB, HW), jnp.float32),
        pltpu.VMEM((EB, HW), jnp.float32),
        pltpu.VMEM_SHARED((N_PAD, HW), jnp.float32),
    ],
)
def _deg_kernel(dst_hbm, out_hbm, dst_v, msg_v, tmp_v, hist_shared):
    c = lax.axis_index("c")
    s = lax.axis_index("s")
    wid = s * NC + c
    pltpu.sync_copy(dst_hbm.at[wid], dst_v)

    lane = lax.iota(jnp.int32, 16)
    e0 = jnp.where(lane == 0, 1.0, 0.0).astype(jnp.float32)
    zeros = jnp.zeros((16,), jnp.float32)

    def fill(r, carry):
        msg_v[r] = e0
        tmp_v[r] = zeros
        return carry

    lax.fori_loop(0, EB, fill, 0)

    def zcopy(k, carry):
        pltpu.sync_copy(tmp_v, hist_shared.at[pl.ds(s * ROWS_PT + k * EB, EB)])
        return carry

    lax.fori_loop(0, RB, zcopy, 0)
    plsc.subcore_barrier()

    def body(b, carry):
        pltpu.sync_copy(msg_v, hist_shared.at[dst_v.at[b]], add=True)
        return carry

    lax.fori_loop(0, NB, body, 0)
    plsc.subcore_barrier()

    def dump(k, carry):
        r0 = s * ROWS_PT + k * EB
        pltpu.sync_copy(hist_shared.at[pl.ds(r0, EB)], tmp_v)
        pltpu.sync_copy(tmp_v, out_hbm.at[c].at[pl.ds(r0, EB)])
        return carry

    lax.fori_loop(0, RB, dump, 0)


def _prep_body(h0_ref, h1_ref, x_ref, y_ref, s2_ref):
    deg = jnp.sum(h0_ref[...] + h1_ref[...], axis=1, keepdims=True) + 1.0
    dinv = lax.rsqrt(deg)
    s2_ref[...] = dinv / deg
    y_ref[...] = x_ref[...] * dinv


@functools.partial(
    pl.kernel,
    out_type=jax.ShapeDtypeStruct((NC, N_PAD, D), jnp.float32),
    mesh=_mesh,
    scratch_types=[
        pltpu.VMEM((HNB, EB), jnp.int32),
        pltpu.VMEM((HNB, EB), jnp.int32),
        pltpu.VMEM((EB, D), jnp.float32),
        pltpu.VMEM((EB, D), jnp.float32),
        pltpu.VMEM_SHARED((N_PAD, D), jnp.float32),
        pltpu.SemaphoreType.DMA,
        pltpu.SemaphoreType.DMA,
    ],
)
def _scatter_kernel(src_hbm, dst_hbm, y_hbm, out_hbm,
                    src_v, dst_v, rows_a, rows_b, s_shared, sem_a, sem_b):
    c = lax.axis_index("c")
    s = lax.axis_index("s")
    wid = s * NC + c

    zeros = jnp.zeros((16,), jnp.float32)

    def zrow(i, carry):
        r = i // (D // 16)
        col = (i % (D // 16)) * 16
        rows_a[r, pl.ds(col, 16)] = zeros
        return carry

    lax.fori_loop(0, EB * D // 16, zrow, 0)

    def zcopy(k, carry):
        pltpu.sync_copy(rows_a, s_shared.at[pl.ds(s * ROWS_PT + k * EB, EB)])
        return carry

    lax.fori_loop(0, RB, zcopy, 0)
    plsc.subcore_barrier()

    for p in range(2):
        pltpu.sync_copy(src_hbm.at[wid].at[pl.ds(p * HNB, HNB)], src_v)
        pltpu.sync_copy(dst_hbm.at[wid].at[pl.ds(p * HNB, HNB)], dst_v)
        pltpu.async_copy(y_hbm.at[src_v.at[0]], rows_a, sem_a)

        def body(i, carry):
            b = 2 * i
            pltpu.async_copy(y_hbm.at[src_v.at[b + 1]], rows_b, sem_b)
            pltpu.make_async_copy(y_hbm.at[src_v.at[b]], rows_a, sem_a).wait()
            pltpu.sync_copy(rows_a, s_shared.at[dst_v.at[b]], add=True)

            @pl.when(b + 2 < HNB)
            def _():
                pltpu.async_copy(y_hbm.at[src_v.at[b + 2]], rows_a, sem_a)

            pltpu.make_async_copy(
                y_hbm.at[src_v.at[b + 1]], rows_b, sem_b).wait()
            pltpu.sync_copy(rows_b, s_shared.at[dst_v.at[b + 1]], add=True)
            return carry

        lax.fori_loop(0, HNB // 2, body, 0)
    plsc.subcore_barrier()

    def dump(k, carry):
        r0 = s * ROWS_PT + k * EB
        pltpu.sync_copy(s_shared.at[pl.ds(r0, EB)], rows_a)
        pltpu.sync_copy(rows_a, out_hbm.at[c].at[pl.ds(r0, EB)])
        return carry

    lax.fori_loop(0, RB, dump, 0)


def _final_body(s0_ref, s1_ref, y_ref, s2_ref, w1_ref, w2_ref, o_ref):
    a = (s0_ref[...] + s1_ref[...] + y_ref[...]) * s2_ref[...]
    h1 = jnp.dot(a, w1_ref[...], preferred_element_type=jnp.float32)
    h2 = jnp.dot(a, w2_ref[...], preferred_element_type=jnp.float32)
    o_ref[...] = jax.nn.relu(h1) * jax.nn.sigmoid(h2)


def kernel(x, edge_index, W1, W2):
    src = edge_index[0].astype(jnp.int32)
    dst = edge_index[1].astype(jnp.int32)
    pad = E_PAD - N_EDGES
    ar = jnp.arange(pad, dtype=jnp.int32)
    src_p = jnp.concatenate([src, ar % N_NODES]).reshape(NW, NB, EB)
    dst_pad = (ar % (N_PAD - N_NODES)) + N_NODES
    dst_p = jnp.concatenate([dst, dst_pad]).reshape(NW, NB, EB)

    hist = _deg_kernel(dst_p)

    x_p = jnp.concatenate(
        [x, jnp.zeros((N_PAD - N_NODES, D), jnp.float32)], axis=0)
    blk = 1280
    grid = N_PAD // blk
    y, s2 = pl.pallas_call(
        _prep_body,
        grid=(grid,),
        in_specs=[
            pl.BlockSpec((blk, HW), lambda i: (i, 0)),
            pl.BlockSpec((blk, HW), lambda i: (i, 0)),
            pl.BlockSpec((blk, D), lambda i: (i, 0)),
        ],
        out_specs=(
            pl.BlockSpec((blk, D), lambda i: (i, 0)),
            pl.BlockSpec((blk, 1), lambda i: (i, 0)),
        ),
        out_shape=(
            jax.ShapeDtypeStruct((N_PAD, D), jnp.float32),
            jax.ShapeDtypeStruct((N_PAD, 1), jnp.float32),
        ),
    )(hist[0], hist[1], x_p)

    S = _scatter_kernel(src_p, dst_p, y)

    out = pl.pallas_call(
        _final_body,
        grid=(grid,),
        in_specs=[
            pl.BlockSpec((blk, D), lambda i: (i, 0)),
            pl.BlockSpec((blk, D), lambda i: (i, 0)),
            pl.BlockSpec((blk, D), lambda i: (i, 0)),
            pl.BlockSpec((blk, 1), lambda i: (i, 0)),
            pl.BlockSpec((D, D), lambda i: (0, 0)),
            pl.BlockSpec((D, D), lambda i: (0, 0)),
        ],
        out_specs=pl.BlockSpec((blk, D), lambda i: (i, 0)),
        out_shape=jax.ShapeDtypeStruct((N_PAD, D), jnp.float32),
    )(S[0], S[1], y, s2, W1, W2)
    return out[:N_NODES]

# --- scband reference (transcript-rebuilt; emitter-appended) ---
"""Pipeline reference for scband-gcnblock-35210141893223 (READ-ONLY COPY).

The authoritative reference and input builder live on the scoring server;
editing this copy changes nothing except your own understanding.
"""

import jax, jax.numpy as jnp
import numpy as np

N_NODES = 10000
N_EDGES = 320000
D_IN = 128
D_OUT = 128


def _gcn_conv(x, W, edge_index):
    # PyG GCNConv semantics: add self-loops, symmetric gcn_norm, then aggregate
    # messages from src (edge_index[0]) at dst (edge_index[1]). aggr='mean'.
    src, dst = edge_index[0], edge_index[1]
    loop = jnp.arange(N_NODES, dtype=src.dtype)
    src_f = jnp.concatenate([src, loop])
    dst_f = jnp.concatenate([dst, loop])
    edge_weight = jnp.ones(src_f.shape[0], dtype=x.dtype)  # improved=False -> self-loop weight 1
    # degree computed at dst (col) with self-loops
    deg = jnp.zeros((N_NODES,), dtype=x.dtype).at[dst_f].add(edge_weight)
    deg_inv_sqrt = jnp.where(deg > 0, 1.0 / jnp.sqrt(deg), 0.0)
    norm = deg_inv_sqrt[src_f] * deg_inv_sqrt[dst_f] * edge_weight
    xw = x @ W  # linear transform (bias=False)
    msg = jnp.take(xw, src_f, axis=0) * norm[:, None]
    summed = jax.ops.segment_sum(msg, dst_f, num_segments=N_NODES)
    # aggr='mean': divide by number of incoming messages per dst node
    cnt = jax.ops.segment_sum(jnp.ones_like(norm), dst_f, num_segments=N_NODES)
    return summed / jnp.clip(cnt, 1.0)[:, None]


def setup_inputs(seed: int = 0):
    key = jax.random.key(seed)
    k1, k2, k3, k4 = jax.random.split(key, 4)
    x = jax.random.normal(k1, (N_NODES, D_IN), dtype=jnp.float32)
    edge_index = jax.random.randint(k2, (2, N_EDGES), 0, N_NODES)
    W1 = jax.random.normal(k3, (D_IN, D_OUT), dtype=jnp.float32) * 0.05
    W2 = jax.random.normal(k4, (D_IN, D_OUT), dtype=jnp.float32) * 0.05
    return {"x": x, "edge_index": edge_index, "W1": W1, "W2": W2}


def reference(x, edge_index, W1, W2):
    # gated=True branch: out = ReLU(GCNConv1(x, ei)) * Sigmoid(GCNConv2(x, ei))
    x1 = jax.nn.relu(_gcn_conv(x, W1, edge_index))
    x2 = jax.nn.sigmoid(_gcn_conv(x, W2, edge_index))
    out = x1 * x2
    # original forward computes `out + out + x` without assignment -> no-op
    return out

if __name__ == "__main__":
    import jax
    _d = setup_inputs()
    print(jax.jit(kernel)(*tuple(_d.values())))

</pallas_src>

<mosaic_0001>
#map = affine_map<(d0, d1) -> (0, 0, 0)>
module attributes {stable_mosaic.version = 14 : i64} {
  func.func @_deg_kernel(%arg0: i32, %arg1: i32, %arg2: memref<32x80x128xi32, #tpu.memory_space<hbm>>, %arg3: memref<2x10240x16xf32, #tpu.memory_space<hbm>>, %arg4: memref<80x128xi32, #tpu.memory_space<vmem>>, %arg5: memref<128x16xf32, #tpu.memory_space<vmem>>, %arg6: memref<128x16xf32, #tpu.memory_space<vmem>>, %arg7: memref<10240x16xf32, #tpu.memory_space<vmem_shared>>) attributes {dimension_semantics = [#tpu.dimension_semantics<core_parallel>, #tpu.dimension_semantics<subcore_parallel>], iteration_bounds = array<i64: 2, 16>, scalar_prefetch = 0 : i64, scratch_operands = 4 : i64, tpu.core_type = #tpu.core_type<sc_vector_subcore>, window_params = [{transform_indices = #map}, {transform_indices = #map}]} {
    %mul3A = arith.constant 2 : i32
    %mul3A_0 = arith.muli %arg1, %mul3A : i32
    %add3A = arith.addi %mul3A_0, %arg0 : i32
    "tpu.region"() ({
      %run_scoped3A = tpu.sem_alloc : memref<!tpu.dma_semaphore, #tpu.memory_space<semaphore_mem>>
      %dma_start3A = arith.constant 0 : i32
      %dma_start3A_31 = arith.constant 0 : i32
      %dma_start3A_32 = tpu.memref_slice %arg2[%add3A, %dma_start3A, %dma_start3A_31] : memref<32x80x128xi32, #tpu.memory_space<hbm>> -> memref<1x80x128xi32, #tpu.memory_space<hbm>>
      %dma_start3A_33 = tpu.memref_squeeze %dma_start3A_32 : memref<1x80x128xi32, #tpu.memory_space<hbm>> -> memref<80x128xi32, #tpu.memory_space<hbm>>
      %dma_start3A_34 = arith.constant 0 : i32
      %dma_start3A_35 = arith.constant 0 : i32
      %dma_start3A_36 = tpu.memref_slice %arg2[%add3A, %dma_start3A_34, %dma_start3A_35] : memref<32x80x128xi32, #tpu.memory_space<hbm>> -> memref<1x80x128xi32, #tpu.memory_space<hbm>>
      %dma_start3A_37 = tpu.memref_squeeze %dma_start3A_36 : memref<1x80x128xi32, #tpu.memory_space<hbm>> -> memref<80x128xi32, #tpu.memory_space<hbm>>
      tpu.enqueue_dma source(%dma_start3A_37 : memref<80x128xi32, #tpu.memory_space<hbm>>) target(%arg4 : memref<80x128xi32, #tpu.memory_space<vmem>>) target_semaphore(%run_scoped3A : memref<!tpu.dma_semaphore, #tpu.memory_space<semaphore_mem>>)
      %dma_wait3A = arith.constant 0 : i32
      %dma_wait3A_38 = arith.constant 0 : i32
      %dma_wait3A_39 = tpu.memref_slice %arg2[%add3A, %dma_wait3A, %dma_wait3A_38] : memref<32x80x128xi32, #tpu.memory_space<hbm>> -> memref<1x80x128xi32, #tpu.memory_space<hbm>>
      %dma_wait3A_40 = tpu.memref_squeeze %dma_wait3A_39 : memref<1x80x128xi32, #tpu.memory_space<hbm>> -> memref<80x128xi32, #tpu.memory_space<hbm>>
      %dma_wait3A_41 = arith.constant 0 : i32
      %dma_wait3A_42 = arith.constant 0 : i32
      %dma_wait3A_43 = tpu.memref_slice %arg2[%add3A, %dma_wait3A_41, %dma_wait3A_42] : memref<32x80x128xi32, #tpu.memory_space<hbm>> -> memref<1x80x128xi32, #tpu.memory_space<hbm>>
      %dma_wait3A_44 = tpu.memref_squeeze %dma_wait3A_43 : memref<1x80x128xi32, #tpu.memory_space<hbm>> -> memref<80x128xi32, #tpu.memory_space<hbm>>
      tpu.wait_dma2 semaphore(%run_scoped3A : memref<!tpu.dma_semaphore, #tpu.memory_space<semaphore_mem>>) src(%dma_wait3A_44 : memref<80x128xi32, #tpu.memory_space<hbm>>) dst(%arg4 : memref<80x128xi32, #tpu.memory_space<vmem>>)
      tpu.yield
    }) : () -> ()
    %iota3A = tpu.iota {dimensions = array<i32: 0>} : vector<16xi32>
    %eq3A = arith.constant 0 : i32
    %eq3A_1 = vector.broadcast %eq3A : i32 to vector<16xi32>
    %eq3A_2 = arith.cmpi eq, %iota3A, %eq3A_1 : vector<16xi32>
    %jit3A = arith.constant 1.000000e+00 : f32
    %jit3A_3 = arith.constant 0.000000e+00 : f32
    %broadcast_in_dim3A = vector.broadcast %jit3A : f32 to vector<16xf32>
    %broadcast_in_dim3A_4 = vector.broadcast %jit3A_3 : f32 to vector<16xf32>
    %select_n3A = arith.select %eq3A_2, %broadcast_in_dim3A, %broadcast_in_dim3A_4 : vector<16xi1>, vector<16xf32>
    %broadcast_in_dim3A_5 = arith.constant 0.000000e+00 : f32
    %broadcast_in_dim3A_6 = vector.broadcast %broadcast_in_dim3A_5 : f32 to vector<16xf32>
    %scan3A = arith.constant 0 : i32
    %scan3A_7 = arith.constant 0 : i32
    %scan3A_8 = arith.constant 128 : i32
    %scan3A_9 = arith.addi %scan3A_7, %scan3A_8 : i32
    %scan3A_10 = arith.constant 1 : i32
    scf.for %scan3A_31 = %scan3A_7 to %scan3A_9 step %scan3A_10  : i32 {
      %swap3A = arith.index_cast %scan3A_31 : i32 to index
      %swap3A_32 = arith.constant 0 : index
      %swap3A_33 = tpu.vector_load %arg5[%swap3A, %swap3A_32] {strides = array<i32>} : memref<128x16xf32, #tpu.memory_space<vmem>>, vector<1x16xf32>,
      %swap3A_34 = vector.shape_cast %swap3A_33 : vector<1x16xf32> to vector<16xf32>
      %swap3A_35 = vector.shape_cast %select_n3A : vector<16xf32> to vector<1x16xf32>
      tpu.vector_store %arg5[%swap3A, %swap3A_32], %swap3A_35 {strides = array<i32>} : memref<128x16xf32, #tpu.memory_space<vmem>>, vector<1x16xf32>,
      %swap3A_36 = arith.index_cast %scan3A_31 : i32 to index
      %swap3A_37 = arith.constant 0 : index
      %swap3A_38 = tpu.vector_load %arg6[%swap3A_36, %swap3A_37] {strides = array<i32>} : memref<128x16xf32, #tpu.memory_space<vmem>>, vector<1x16xf32>,
      %swap3A_39 = vector.shape_cast %swap3A_38 : vector<1x16xf32> to vector<16xf32>
      %swap3A_40 = vector.shape_cast %broadcast_in_dim3A_6 : vector<16xf32> to vector<1x16xf32>
      tpu.vector_store %arg6[%swap3A_36, %swap3A_37], %swap3A_40 {strides = array<i32>} : memref<128x16xf32, #tpu.memory_space<vmem>>, vector<1x16xf32>,
    }
    %scan3A_11 = arith.constant 128 : i32
    %scan3A_12 = arith.constant 0 : i32
    %scan3A_13 = arith.constant 0 : i32
    %scan3A_14 = arith.constant 5 : i32
    %scan3A_15 = arith.addi %scan3A_13, %scan3A_14 : i32
    %scan3A_16 = arith.constant 1 : i32
    scf.for %scan3A_31 = %scan3A_13 to %scan3A_15 step %scan3A_16  : i32 {
      %mul3A_32 = arith.constant 640 : i32
      %mul3A_33 = arith.muli %arg1, %mul3A_32 : i32
      %mul3A_34 = arith.constant 128 : i32
      %mul3A_35 = arith.muli %scan3A_31, %mul3A_34 : i32
      %add3A_36 = arith.addi %mul3A_33, %mul3A_35 : i32
      "tpu.region"() ({
        %run_scoped3A = tpu.sem_alloc : memref<!tpu.dma_semaphore, #tpu.memory_space<semaphore_mem>>
        %dma_start3A = arith.constant 0 : i32
        %dma_start3A_37 = tpu.memref_slice %arg7[%add3A_36, %dma_start3A] : memref<10240x16xf32, #tpu.memory_space<vmem_shared>> -> memref<128x16xf32, #tpu.memory_space<vmem_shared>>
        %dma_start3A_38 = arith.constant 0 : i32
        %dma_start3A_39 = tpu.memref_slice %arg7[%add3A_36, %dma_start3A_38] : memref<10240x16xf32, #tpu.memory_space<vmem_shared>> -> memref<128x16xf32, #tpu.memory_space<vmem_shared>>
        tpu.enqueue_dma source(%arg6 : memref<128x16xf32, #tpu.memory_space<vmem>>) target(%dma_start3A_39 : memref<128x16xf32, #tpu.memory_space<vmem_shared>>) target_semaphore(%run_scoped3A : memref<!tpu.dma_semaphore, #tpu.memory_space<semaphore_mem>>)
        %dma_wait3A = arith.constant 0 : i32
        %dma_wait3A_40 = tpu.memref_slice %arg7[%add3A_36, %dma_wait3A] : memref<10240x16xf32, #tpu.memory_space<vmem_shared>> -> memref<128x16xf32, #tpu.memory_space<vmem_shared>>
        %dma_wait3A_41 = arith.constant 0 : i32
        %dma_wait3A_42 = tpu.memref_slice %arg7[%add3A_36, %dma_wait3A_41] : memref<10240x16xf32, #tpu.memory_space<vmem_shared>> -> memref<128x16xf32, #tpu.memory_space<vmem_shared>>
        tpu.wait_dma2 semaphore(%run_scoped3A : memref<!tpu.dma_semaphore, #tpu.memory_space<semaphore_mem>>) src(%arg6 : memref<128x16xf32, #tpu.memory_space<vmem>>) dst(%dma_wait3A_42 : memref<128x16xf32, #tpu.memory_space<vmem_shared>>)
        tpu.yield
      }) : () -> ()
    }
    %scan3A_17 = arith.constant 5 : i32
    %barrier3A = arith.constant 0 : index
    tpu.barrier barrier_id(%barrier3A)
    %scan3A_18 = arith.constant 0 : i32
    %scan3A_19 = arith.constant 0 : i32
    %scan3A_20 = arith.constant 80 : i32
    %scan3A_21 = arith.addi %scan3A_19, %scan3A_20 : i32
    %scan3A_22 = arith.constant 1 : i32
    scf.for %scan3A_31 = %scan3A_19 to %scan3A_21 step %scan3A_22  : i32 {
      "tpu.region"() ({
        %run_scoped3A = tpu.sem_alloc : memref<!tpu.dma_semaphore, #tpu.memory_space<semaphore_mem>>
        %dma_start3A = arith.constant 0 : i32
        %dma_start3A_32 = tpu.memref_slice %arg4[%scan3A_31, %dma_start3A] : memref<80x128xi32, #tpu.memory_space<vmem>> -> memref<1x128xi32, #tpu.memory_space<vmem>>
        %dma_start3A_33 = tpu.memref_squeeze %dma_start3A_32 : memref<1x128xi32, #tpu.memory_space<vmem>> -> memref<128xi32, #tpu.memory_space<vmem>>
        %dma_start3A_34 = arith.constant 0 : i32
        %dma_start3A_35 = arith.constant 0 : i32
        %dma_start3A_36 = tpu.memref_slice %arg7[%dma_start3A_34, %dma_start3A_35] : memref<10240x16xf32, #tpu.memory_space<vmem_shared>> -> memref<10240x16xf32, #tpu.memory_space<vmem_shared>>
        tpu.enqueue_indirect_dma source(%arg5 : memref<128x16xf32, #tpu.memory_space<vmem>>) target(%dma_start3A_36 : memref<10240x16xf32, #tpu.memory_space<vmem_shared>>) offsets(%dma_start3A_33 : memref<128xi32, #tpu.memory_space<vmem>>) semaphore(%run_scoped3A : memref<!tpu.dma_semaphore, #tpu.memory_space<semaphore_mem>>) {add = true}
        %dma_wait3A = arith.constant 0 : i32
        %dma_wait3A_37 = tpu.memref_slice %arg4[%scan3A_31, %dma_wait3A] : memref<80x128xi32, #tpu.memory_space<vmem>> -> memref<1x128xi32, #tpu.memory_space<vmem>>
        %dma_wait3A_38 = tpu.memref_squeeze %dma_wait3A_37 : memref<1x128xi32, #tpu.memory_space<vmem>> -> memref<128xi32, #tpu.memory_space<vmem>>
        %dma_wait3A_39 = arith.constant 0 : i32
        %dma_wait3A_40 = arith.constant 0 : i32
        %dma_wait3A_41 = tpu.memref_slice %arg7[%dma_wait3A_39, %dma_wait3A_40] : memref<10240x16xf32, #tpu.memory_space<vmem_shared>> -> memref<10240x16xf32, #tpu.memory_space<vmem_shared>>
        tpu.wait_indirect_dma semaphore(%run_scoped3A : memref<!tpu.dma_semaphore, #tpu.memory_space<semaphore_mem>>) src(%arg5 : memref<128x16xf32, #tpu.memory_space<vmem>>) dst(%dma_wait3A_41 : memref<10240x16xf32, #tpu.memory_space<vmem_shared>>)
        tpu.yield
      }) : () -> ()
    }
    %scan3A_23 = arith.constant 80 : i32
    %barrier3A_24 = arith.constant 0 : index
    tpu.barrier barrier_id(%barrier3A_24)
    %scan3A_25 = arith.constant 0 : i32
    %scan3A_26 = arith.constant 0 : i32
    %scan3A_27 = arith.constant 5 : i32
    %scan3A_28 = arith.addi %scan3A_26, %scan3A_27 : i32
    %scan3A_29 = arith.constant 1 : i32
    scf.for %scan3A_31 = %scan3A_26 to %scan3A_28 step %scan3A_29  : i32 {
      %mul3A_32 = arith.constant 640 : i32
      %mul3A_33 = arith.muli %arg1, %mul3A_32 : i32
      %mul3A_34 = arith.constant 128 : i32
      %mul3A_35 = arith.muli %scan3A_31, %mul3A_34 : i32
      %add3A_36 = arith.addi %mul3A_33, %mul3A_35 : i32
      "tpu.region"() ({
        %run_scoped3A = tpu.sem_alloc : memref<!tpu.dma_semaphore, #tpu.memory_space<semaphore_mem>>
        %dma_start3A = arith.constant 0 : i32
        %dma_start3A_37 = tpu.memref_slice %arg7[%add3A_36, %dma_start3A] : memref<10240x16xf32, #tpu.memory_space<vmem_shared>> -> memref<128x16xf32, #tpu.memory_space<vmem_shared>>
        %dma_start3A_38 = arith.constant 0 : i32
        %dma_start3A_39 = tpu.memref_slice %arg7[%add3A_36, %dma_start3A_38] : memref<10240x16xf32, #tpu.memory_space<vmem_shared>> -> memref<128x16xf32, #tpu.memory_space<vmem_shared>>
        tpu.enqueue_dma source(%dma_start3A_39 : memref<128x16xf32, #tpu.memory_space<vmem_shared>>) target(%arg6 : memref<128x16xf32, #tpu.memory_space<vmem>>) target_semaphore(%run_scoped3A : memref<!tpu.dma_semaphore, #tpu.memory_space<semaphore_mem>>)
        %dma_wait3A = arith.constant 0 : i32
        %dma_wait3A_40 = tpu.memref_slice %arg7[%add3A_36, %dma_wait3A] : memref<10240x16xf32, #tpu.memory_space<vmem_shared>> -> memref<128x16xf32, #tpu.memory_space<vmem_shared>>
        %dma_wait3A_41 = arith.constant 0 : i32
        %dma_wait3A_42 = tpu.memref_slice %arg7[%add3A_36, %dma_wait3A_41] : memref<10240x16xf32, #tpu.memory_space<vmem_shared>> -> memref<128x16xf32, #tpu.memory_space<vmem_shared>>
        tpu.wait_dma2 semaphore(%run_scoped3A : memref<!tpu.dma_semaphore, #tpu.memory_space<semaphore_mem>>) src(%dma_wait3A_42 : memref<128x16xf32, #tpu.memory_space<vmem_shared>>) dst(%arg6 : memref<128x16xf32, #tpu.memory_space<vmem>>)
        tpu.yield
      }) : () -> ()
      "tpu.region"() ({
        %run_scoped3A = tpu.sem_alloc : memref<!tpu.dma_semaphore, #tpu.memory_space<semaphore_mem>>
        %dma_start3A = arith.constant 0 : i32
        %dma_start3A_37 = arith.constant 0 : i32
        %dma_start3A_38 = tpu.memref_slice %arg3[%arg0, %dma_start3A, %dma_start3A_37] : memref<2x10240x16xf32, #tpu.memory_space<hbm>> -> memref<1x10240x16xf32, #tpu.memory_space<hbm>>
        %dma_start3A_39 = tpu.memref_squeeze %dma_start3A_38 : memref<1x10240x16xf32, #tpu.memory_space<hbm>> -> memref<10240x16xf32, #tpu.memory_space<hbm>>
        %dma_start3A_40 = arith.constant 0 : i32
        %dma_start3A_41 = tpu.memref_slice %dma_start3A_39[%add3A_36, %dma_start3A_40] : memref<10240x16xf32, #tpu.memory_space<hbm>> -> memref<128x16xf32, #tpu.memory_space<hbm>>
        %dma_start3A_42 = arith.constant 0 : i32
        %dma_start3A_43 = arith.constant 0 : i32
        %dma_start3A_44 = tpu.memref_slice %arg3[%arg0, %dma_start3A_42, %dma_start3A_43] : memref<2x10240x16xf32, #tpu.memory_space<hbm>> -> memref<1x10240x16xf32, #tpu.memory_space<hbm>>
        %dma_start3A_45 = tpu.memref_squeeze %dma_start3A_44 : memref<1x10240x16xf32, #tpu.memory_space<hbm>> -> memref<10240x16xf32, #tpu.memory_space<hbm>>
        %dma_start3A_46 = arith.constant 0 : i32
        %dma_start3A_47 = tpu.memref_slice %dma_start3A_45[%add3A_36, %dma_start3A_46] : memref<10240x16xf32, #tpu.memory_space<hbm>> -> memref<128x16xf32, #tpu.memory_space<hbm>>
        tpu.enqueue_dma source(%arg6 : memref<128x16xf32, #tpu.memory_space<vmem>>) target(%dma_start3A_47 : memref<128x16xf32, #tpu.memory_space<hbm>>) target_semaphore(%run_scoped3A : memref<!tpu.dma_semaphore, #tpu.memory_space<semaphore_mem>>)
        %dma_wait3A = arith.constant 0 : i32
        %dma_wait3A_48 = arith.constant 0 : i32
        %dma_wait3A_49 = tpu.memref_slice %arg3[%arg0, %dma_wait3A, %dma_wait3A_48] : memref<2x10240x16xf32, #tpu.memory_space<hbm>> -> memref<1x10240x16xf32, #tpu.memory_space<hbm>>
        %dma_wait3A_50 = tpu.memref_squeeze %dma_wait3A_49 : memref<1x10240x16xf32, #tpu.memory_space<hbm>> -> memref<10240x16xf32, #tpu.memory_space<hbm>>
        %dma_wait3A_51 = arith.constant 0 : i32
        %dma_wait3A_52 = tpu.memref_slice %dma_wait3A_50[%add3A_36, %dma_wait3A_51] : memref<10240x16xf32, #tpu.memory_space<hbm>> -> memref<128x16xf32, #tpu.memory_space<hbm>>
        %dma_wait3A_53 = arith.constant 0 : i32
        %dma_wait3A_54 = arith.constant 0 : i32
        %dma_wait3A_55 = tpu.memref_slice %arg3[%arg0, %dma_wait3A_53, %dma_wait3A_54] : memref<2x10240x16xf32, #tpu.memory_space<hbm>> -> memref<1x10240x16xf32, #tpu.memory_space<hbm>>
        %dma_wait3A_56 = tpu.memref_squeeze %dma_wait3A_55 : memref<1x10240x16xf32, #tpu.memory_space<hbm>> -> memref<10240x16xf32, #tpu.memory_space<hbm>>
        %dma_wait3A_57 = arith.constant 0 : i32
        %dma_wait3A_58 = tpu.memref_slice %dma_wait3A_56[%add3A_36, %dma_wait3A_57] : memref<10240x16xf32, #tpu.memory_space<hbm>> -> memref<128x16xf32, #tpu.memory_space<hbm>>
        tpu.wait_dma2 semaphore(%run_scoped3A : memref<!tpu.dma_semaphore, #tpu.memory_space<semaphore_mem>>) src(%arg6 : memref<128x16xf32, #tpu.memory_space<vmem>>) dst(%dma_wait3A_58 : memref<128x16xf32, #tpu.memory_space<hbm>>)
        tpu.yield
      }) : () -> ()
    }
    %scan3A_30 = arith.constant 5 : i32
    return
  }
}

#map = affine_map<(d0, d1) -> (0, 0, 0)>
#map1 = affine_map<(d0, d1) -> (0, 0)>
module attributes {stable_mosaic.version = 14 : i64} {
  func.func @_scatter_kernel(%arg0: i32, %arg1: i32, %arg2: memref<32x80x128xi32, #tpu.memory_space<hbm>>, %arg3: memref<32x80x128xi32, #tpu.memory_space<hbm>>, %arg4: memref<10240x128xf32, #tpu.memory_space<hbm>>, %arg5: memref<2x10240x128xf32, #tpu.memory_space<hbm>>, %arg6: memref<40x128xi32, #tpu.memory_space<vmem>>, %arg7: memref<40x128xi32, #tpu.memory_space<vmem>>, %arg8: memref<128x128xf32, #tpu.memory_space<vmem>>, %arg9: memref<128x128xf32, #tpu.memory_space<vmem>>, %arg10: memref<10240x128xf32, #tpu.memory_space<vmem_shared>>, %arg11: memref<!tpu.dma_semaphore, #tpu.memory_space<semaphore_mem>>, %arg12: memref<!tpu.dma_semaphore, #tpu.memory_space<semaphore_mem>>) attributes {dimension_semantics = [#tpu.dimension_semantics<core_parallel>, #tpu.dimension_semantics<subcore_parallel>], iteration_bounds = array<i64: 2, 16>, scalar_prefetch = 0 : i64, scratch_operands = 7 : i64, tpu.core_type = #tpu.core_type<sc_vector_subcore>, window_params = [{transform_indices = #map}, {transform_indices = #map}, {transform_indices = #map1}, {transform_indices = #map}]} {
    %mul3A = arith.constant 2 : i32
    %mul3A_0 = arith.muli %arg1, %mul3A : i32
    %add3A = arith.addi %mul3A_0, %arg0 : i32
    %broadcast_in_dim3A = arith.constant 0.000000e+00 : f32
    %broadcast_in_dim3A_1 = vector.broadcast %broadcast_in_dim3A : f32 to vector<16xf32>
    %scan3A = arith.constant 0 : i32
    %scan3A_2 = arith.constant 0 : i32
    %scan3A_3 = arith.constant 1024 : i32
    %scan3A_4 = arith.addi %scan3A_2, %scan3A_3 : i32
    %scan3A_5 = arith.constant 1 : i32
    scf.for %scan3A_45 = %scan3A_2 to %scan3A_4 step %scan3A_5  : i32 {
      %jit3A = arith.constant 8 : i32
      %div3A = arith.divsi %scan3A_45, %jit3A : i32
      %sign3A = arith.constant 0 : i32
      %sign3A_46 = arith.cmpi sgt, %scan3A_45, %sign3A : i32
      %sign3A_47 = arith.extui %sign3A_46 : i1 to i32
      %sign3A_48 = arith.constant 0 : i32
      %sign3A_49 = arith.cmpi slt, %scan3A_45, %sign3A_48 : i32
      %sign3A_50 = arith.extui %sign3A_49 : i1 to i32
      %sign3A_51 = arith.subi %sign3A_47, %sign3A_50 : i32
      %sign3A_52 = arith.constant 0 : i32
      %sign3A_53 = arith.cmpi sgt, %jit3A, %sign3A_52 : i32
      %sign3A_54 = arith.extui %sign3A_53 : i1 to i32
      %sign3A_55 = arith.constant 0 : i32
      %sign3A_56 = arith.cmpi slt, %jit3A, %sign3A_55 : i32
      %sign3A_57 = arith.extui %sign3A_56 : i1 to i32
      %sign3A_58 = arith.subi %sign3A_54, %sign3A_57 : i32
      %ne3A = arith.cmpi ne, %sign3A_51, %sign3A_58 : i32
      %rem3A = arith.remsi %scan3A_45, %jit3A : i32
      %ne3A_59 = arith.constant 0 : i32
      %ne3A_60 = arith.cmpi ne, %rem3A, %ne3A_59 : i32
      %and3A = arith.andi %ne3A, %ne3A_60 : i1
      %sub3A = arith.constant 1 : i32
      %sub3A_61 = arith.subi %div3A, %sub3A : i32
      %select_n3A = arith.select %and3A, %sub3A_61, %div3A : i32
      %jit3A_62 = arith.constant 8 : i32
      %eq3A = arith.constant 0 : i32
      %eq3A_63 = arith.cmpi eq, %jit3A_62, %eq3A : i32
      %jit3A_64 = arith.constant 1 : i32
      %select_n3A_65 = arith.select %eq3A_63, %jit3A_64, %jit3A_62 : i32
      %rem3A_66 = arith.remsi %scan3A_45, %select_n3A_65 : i32
      %ne3A_67 = arith.constant 0 : i32
      %ne3A_68 = arith.cmpi ne, %rem3A_66, %ne3A_67 : i32
      %lt3A = arith.constant 0 : i32
      %lt3A_69 = arith.cmpi slt, %rem3A_66, %lt3A : i32
      %lt3A_70 = arith.constant 0 : i32
      %lt3A_71 = arith.cmpi slt, %select_n3A_65, %lt3A_70 : i32
      %ne3A_72 = arith.xori %lt3A_69, %lt3A_71 : i1
      %and3A_73 = arith.andi %ne3A_72, %ne3A_68 : i1
      %add3A_74 = arith.addi %rem3A_66, %select_n3A_65 : i32
      %select_n3A_75 = arith.select %and3A_73, %add3A_74, %rem3A_66 : i32
      %mul3A_76 = arith.constant 16 : i32
      %mul3A_77 = arith.muli %select_n3A_75, %mul3A_76 : i32
      %swap3A = arith.index_cast %select_n3A : i32 to index
      %swap3A_78 = arith.index_cast %mul3A_77 : i32 to index
      %swap3A_79 = tpu.vector_load %arg8[%swap3A, %swap3A_78] {strides = array<i32>} : memref<128x128xf32, #tpu.memory_space<vmem>>, vector<1x16xf32>,
      %swap3A_80 = vector.shape_cast %swap3A_79 : vector<1x16xf32> to vector<16xf32>
      %swap3A_81 = vector.shape_cast %broadcast_in_dim3A_1 : vector<16xf32> to vector<1x16xf32>
      tpu.vector_store %arg8[%swap3A, %swap3A_78], %swap3A_81 {strides = array<i32>} : memref<128x128xf32, #tpu.memory_space<vmem>>, vector<1x16xf32>,
    }
    %scan3A_6 = arith.constant 1024 : i32
    %scan3A_7 = arith.constant 0 : i32
    %scan3A_8 = arith.constant 0 : i32
    %scan3A_9 = arith.constant 5 : i32
    %scan3A_10 = arith.addi %scan3A_8, %scan3A_9 : i32
    %scan3A_11 = arith.constant 1 : i32
    scf.for %scan3A_45 = %scan3A_8 to %scan3A_10 step %scan3A_11  : i32 {
      %mul3A_46 = arith.constant 640 : i32
      %mul3A_47 = arith.muli %arg1, %mul3A_46 : i32
      %mul3A_48 = arith.constant 128 : i32
      %mul3A_49 = arith.muli %scan3A_45, %mul3A_48 : i32
      %add3A_50 = arith.addi %mul3A_47, %mul3A_49 : i32
      "tpu.region"() ({
        %run_scoped3A = tpu.sem_alloc : memref<!tpu.dma_semaphore, #tpu.memory_space<semaphore_mem>>
        %dma_start3A_51 = arith.constant 0 : i32
        %dma_start3A_52 = tpu.memref_slice %arg10[%add3A_50, %dma_start3A_51] : memref<10240x128xf32, #tpu.memory_space<vmem_shared>> -> memref<128x128xf32, #tpu.memory_space<vmem_shared>>
        %dma_start3A_53 = arith.constant 0 : i32
        %dma_start3A_54 = tpu.memref_slice %arg10[%add3A_50, %dma_start3A_53] : memref<10240x128xf32, #tpu.memory_space<vmem_shared>> -> memref<128x128xf32, #tpu.memory_space<vmem_shared>>
        tpu.enqueue_dma source(%arg8 : memref<128x128xf32, #tpu.memory_space<vmem>>) target(%dma_start3A_54 : memref<128x128xf32, #tpu.memory_space<vmem_shared>>) target_semaphore(%run_scoped3A : memref<!tpu.dma_semaphore, #tpu.memory_space<semaphore_mem>>)
        %dma_wait3A = arith.constant 0 : i32
        %dma_wait3A_55 = tpu.memref_slice %arg10[%add3A_50, %dma_wait3A] : memref<10240x128xf32, #tpu.memory_space<vmem_shared>> -> memref<128x128xf32, #tpu.memory_space<vmem_shared>>
        %dma_wait3A_56 = arith.constant 0 : i32
        %dma_wait3A_57 = tpu.memref_slice %arg10[%add3A_50, %dma_wait3A_56] : memref<10240x128xf32, #tpu.memory_space<vmem_shared>> -> memref<128x128xf32, #tpu.memory_space<vmem_shared>>
        tpu.wait_dma2 semaphore(%run_scoped3A : memref<!tpu.dma_semaphore, #tpu.memory_space<semaphore_mem>>) src(%arg8 : memref<128x128xf32, #tpu.memory_space<vmem>>) dst(%dma_wait3A_57 : memref<128x128xf32, #tpu.memory_space<vmem_shared>>)
        tpu.yield
      }) : () -> ()
    }
    %scan3A_12 = arith.constant 5 : i32
    %barrier3A = arith.constant 0 : index
    tpu.barrier barrier_id(%barrier3A)
    "tpu.region"() ({
      %run_scoped3A = tpu.sem_alloc : memref<!tpu.dma_semaphore, #tpu.memory_space<semaphore_mem>>
      %dma_start3A_45 = arith.constant 0 : i32
      %dma_start3A_46 = arith.constant 0 : i32
      %dma_start3A_47 = tpu.memref_slice %arg2[%add3A, %dma_start3A_45, %dma_start3A_46] : memref<32x80x128xi32, #tpu.memory_space<hbm>> -> memref<1x80x128xi32, #tpu.memory_space<hbm>>
      %dma_start3A_48 = tpu.memref_squeeze %dma_start3A_47 : memref<1x80x128xi32, #tpu.memory_space<hbm>> -> memref<80x128xi32, #tpu.memory_space<hbm>>
      %dma_start3A_49 = arith.constant 0 : i32
      %dma_start3A_50 = arith.constant 0 : i32
      %dma_start3A_51 = tpu.memref_slice %dma_start3A_48[%dma_start3A_49, %dma_start3A_50] : memref<80x128xi32, #tpu.memory_space<hbm>> -> memref<40x128xi32, #tpu.memory_space<hbm>>
      %dma_start3A_52 = arith.constant 0 : i32
      %dma_start3A_53 = arith.constant 0 : i32
      %dma_start3A_54 = tpu.memref_slice %arg2[%add3A, %dma_start3A_52, %dma_start3A_53] : memref<32x80x128xi32, #tpu.memory_space<hbm>> -> memref<1x80x128xi32, #tpu.memory_space<hbm>>
      %dma_start3A_55 = tpu.memref_squeeze %dma_start3A_54 : memref<1x80x128xi32, #tpu.memory_space<hbm>> -> memref<80x128xi32, #tpu.memory_space<hbm>>
      %dma_start3A_56 = arith.constant 0 : i32
      %dma_start3A_57 = arith.constant 0 : i32
      %dma_start3A_58 = tpu.memref_slice %dma_start3A_55[%dma_start3A_56, %dma_start3A_57] : memref<80x128xi32, #tpu.memory_space<hbm>> -> memref<40x128xi32, #tpu.memory_space<hbm>>
      tpu.enqueue_dma source(%dma_start3A_58 : memref<40x128xi32, #tpu.memory_space<hbm>>) target(%arg6 : memref<40x128xi32, #tpu.memory_space<vmem>>) target_semaphore(%run_scoped3A : memref<!tpu.dma_semaphore, #tpu.memory_space<semaphore_mem>>)
      %dma_wait3A = arith.constant 0 : i32
      %dma_wait3A_59 = arith.constant 0 : i32
      %dma_wait3A_60 = tpu.memref_slice %arg2[%add3A, %dma_wait3A, %dma_wait3A_59] : memref<32x80x128xi32, #tpu.memory_space<hbm>> -> memref<1x80x128xi32, #tpu.memory_space<hbm>>
      %dma_wait3A_61 = tpu.memref_squeeze %dma_wait3A_60 : memref<1x80x128xi32, #tpu.memory_space<hbm>> -> memref<80x128xi32, #tpu.memory_space<hbm>>
      %dma_wait3A_62 = arith.constant 0 : i32
      %dma_wait3A_63 = arith.constant 0 : i32
      %dma_wait3A_64 = tpu.memref_slice %dma_wait3A_61[%dma_wait3A_62, %dma_wait3A_63] : memref<80x128xi32, #tpu.memory_space<hbm>> -> memref<40x128xi32, #tpu.memory_space<hbm>>
      %dma_wait3A_65 = arith.constant 0 : i32
      %dma_wait3A_66 = arith.constant 0 : i32
      %dma_wait3A_67 = tpu.memref_slice %arg2[%add3A, %dma_wait3A_65, %dma_wait3A_66] : memref<32x80x128xi32, #tpu.memory_space<hbm>> -> memref<1x80x128xi32, #tpu.memory_space<hbm>>
      %dma_wait3A_68 = tpu.memref_squeeze %dma_wait3A_67 : memref<1x80x128xi32, #tpu.memory_space<hbm>> -> memref<80x128xi32, #tpu.memory_space<hbm>>
      %dma_wait3A_69 = arith.constant 0 : i32
      %dma_wait3A_70 = arith.constant 0 : i32
      %dma_wait3A_71 = tpu.memref_slice %dma_wait3A_68[%dma_wait3A_69, %dma_wait3A_70] : memref<80x128xi32, #tpu.memory_space<hbm>> -> memref<40x128xi32, #tpu.memory_space<hbm>>
      tpu.wait_dma2 semaphore(%run_scoped3A : memref<!tpu.dma_semaphore, #tpu.memory_space<semaphore_mem>>) src(%dma_wait3A_71 : memref<40x128xi32, #tpu.memory_space<hbm>>) dst(%arg6 : memref<40x128xi32, #tpu.memory_space<vmem>>)
      tpu.yield
    }) : () -> ()
    "tpu.region"() ({
      %run_scoped3A = tpu.sem_alloc : memref<!tpu.dma_semaphore, #tpu.memory_space<semaphore_mem>>
      %dma_start3A_45 = arith.constant 0 : i32
      %dma_start3A_46 = arith.constant 0 : i32
      %dma_start3A_47 = tpu.memref_slice %arg3[%add3A, %dma_start3A_45, %dma_start3A_46] : memref<32x80x128xi32, #tpu.memory_space<hbm>> -> memref<1x80x128xi32, #tpu.memory_space<hbm>>
      %dma_start3A_48 = tpu.memref_squeeze %dma_start3A_47 : memref<1x80x128xi32, #tpu.memory_space<hbm>> -> memref<80x128xi32, #tpu.memory_space<hbm>>
      %dma_start3A_49 = arith.constant 0 : i32
      %dma_start3A_50 = arith.constant 0 : i32
      %dma_start3A_51 = tpu.memref_slice %dma_start3A_48[%dma_start3A_49, %dma_start3A_50] : memref<80x128xi32, #tpu.memory_space<hbm>> -> memref<40x128xi32, #tpu.memory_space<hbm>>
      %dma_start3A_52 = arith.constant 0 : i32
      %dma_start3A_53 = arith.constant 0 : i32
      %dma_start3A_54 = tpu.memref_slice %arg3[%add3A, %dma_start3A_52, %dma_start3A_53] : memref<32x80x128xi32, #tpu.memory_space<hbm>> -> memref<1x80x128xi32, #tpu.memory_space<hbm>>
      %dma_start3A_55 = tpu.memref_squeeze %dma_start3A_54 : memref<1x80x128xi32, #tpu.memory_space<hbm>> -> memref<80x128xi32, #tpu.memory_space<hbm>>
      %dma_start3A_56 = arith.constant 0 : i32
      %dma_start3A_57 = arith.constant 0 : i32
      %dma_start3A_58 = tpu.memref_slice %dma_start3A_55[%dma_start3A_56, %dma_start3A_57] : memref<80x128xi32, #tpu.memory_space<hbm>> -> memref<40x128xi32, #tpu.memory_space<hbm>>
      tpu.enqueue_dma source(%dma_start3A_58 : memref<40x128xi32, #tpu.memory_space<hbm>>) target(%arg7 : memref<40x128xi32, #tpu.memory_space<vmem>>) target_semaphore(%run_scoped3A : memref<!tpu.dma_semaphore, #tpu.memory_space<semaphore_mem>>)
      %dma_wait3A = arith.constant 0 : i32
      %dma_wait3A_59 = arith.constant 0 : i32
      %dma_wait3A_60 = tpu.memref_slice %arg3[%add3A, %dma_wait3A, %dma_wait3A_59] : memref<32x80x128xi32, #tpu.memory_space<hbm>> -> memref<1x80x128xi32, #tpu.memory_space<hbm>>
      %dma_wait3A_61 = tpu.memref_squeeze %dma_wait3A_60 : memref<1x80x128xi32, #tpu.memory_space<hbm>> -> memref<80x128xi32, #tpu.memory_space<hbm>>
      %dma_wait3A_62 = arith.constant 0 : i32
      %dma_wait3A_63 = arith.constant 0 : i32
      %dma_wait3A_64 = tpu.memref_slice %dma_wait3A_61[%dma_wait3A_62, %dma_wait3A_63] : memref<80x128xi32, #tpu.memory_space<hbm>> -> memref<40x128xi32, #tpu.memory_space<hbm>>
      %dma_wait3A_65 = arith.constant 0 : i32
      %dma_wait3A_66 = arith.constant 0 : i32
      %dma_wait3A_67 = tpu.memref_slice %arg3[%add3A, %dma_wait3A_65, %dma_wait3A_66] : memref<32x80x128xi32, #tpu.memory_space<hbm>> -> memref<1x80x128xi32, #tpu.memory_space<hbm>>
      %dma_wait3A_68 = tpu.memref_squeeze %dma_wait3A_67 : memref<1x80x128xi32, #tpu.memory_space<hbm>> -> memref<80x128xi32, #tpu.memory_space<hbm>>
      %dma_wait3A_69 = arith.constant 0 : i32
      %dma_wait3A_70 = arith.constant 0 : i32
      %dma_wait3A_71 = tpu.memref_slice %dma_wait3A_68[%dma_wait3A_69, %dma_wait3A_70] : memref<80x128xi32, #tpu.memory_space<hbm>> -> memref<40x128xi32, #tpu.memory_space<hbm>>
      tpu.wait_dma2 semaphore(%run_scoped3A : memref<!tpu.dma_semaphore, #tpu.memory_space<semaphore_mem>>) src(%dma_wait3A_71 : memref<40x128xi32, #tpu.memory_space<hbm>>) dst(%arg7 : memref<40x128xi32, #tpu.memory_space<vmem>>)
      tpu.yield
    }) : () -> ()
    %dma_start3A = arith.constant 0 : i32
    %dma_start3A_13 = arith.constant 0 : i32
    %dma_start3A_14 = tpu.memref_slice %arg6[%dma_start3A, %dma_start3A_13] : memref<40x128xi32, #tpu.memory_space<vmem>> -> memref<1x128xi32, #tpu.memory_space<vmem>>
    %dma_start3A_15 = tpu.memref_squeeze %dma_start3A_14 : memref<1x128xi32, #tpu.memory_space<vmem>> -> memref<128xi32, #tpu.memory_space<vmem>>
    %dma_start3A_16 = arith.constant 0 : i32
    %dma_start3A_17 = arith.constant 0 : i32
    %dma_start3A_18 = tpu.memref_slice %arg4[%dma_start3A_16, %dma_start3A_17] : memref<10240x128xf32, #tpu.memory_space<hbm>> -> memref<10240x128xf32, #tpu.memory_space<hbm>>
    tpu.enqueue_indirect_dma source(%dma_start3A_18 : memref<10240x128xf32, #tpu.memory_space<hbm>>) target(%arg8 : memref<128x128xf32, #tpu.memory_space<vmem>>) offsets(%dma_start3A_15 : memref<128xi32, #tpu.memory_space<vmem>>) semaphore(%arg11 : memref<!tpu.dma_semaphore, #tpu.memory_space<semaphore_mem>>)
    %scan3A_19 = arith.constant 0 : i32
    %scan3A_20 = arith.constant 0 : i32
    %scan3A_21 = arith.constant 20 : i32
    %scan3A_22 = arith.addi %scan3A_20, %scan3A_21 : i32
    %scan3A_23 = arith.constant 1 : i32
    scf.for %scan3A_45 = %scan3A_20 to %scan3A_22 step %scan3A_23  : i32 {
      %mul3A_46 = arith.constant 2 : i32
      %mul3A_47 = arith.muli %mul3A_46, %scan3A_45 : i32
      %add3A_48 = arith.constant 1 : i32
      %add3A_49 = arith.addi %mul3A_47, %add3A_48 : i32
      %dma_start3A_50 = arith.constant 0 : i32
      %dma_start3A_51 = tpu.memref_slice %arg6[%add3A_49, %dma_start3A_50] : memref<40x128xi32, #tpu.memory_space<vmem>> -> memref<1x128xi32, #tpu.memory_space<vmem>>
      %dma_start3A_52 = tpu.memref_squeeze %dma_start3A_51 : memref<1x128xi32, #tpu.memory_space<vmem>> -> memref<128xi32, #tpu.memory_space<vmem>>
      %dma_start3A_53 = arith.constant 0 : i32
      %dma_start3A_54 = arith.constant 0 : i32
      %dma_start3A_55 = tpu.memref_slice %arg4[%dma_start3A_53, %dma_start3A_54] : memref<10240x128xf32, #tpu.memory_space<hbm>> -> memref<10240x128xf32, #tpu.memory_space<hbm>>
      tpu.enqueue_indirect_dma source(%dma_start3A_55 : memref<10240x128xf32, #tpu.memory_space<hbm>>) target(%arg9 : memref<128x128xf32, #tpu.memory_space<vmem>>) offsets(%dma_start3A_52 : memref<128xi32, #tpu.memory_space<vmem>>) semaphore(%arg12 : memref<!tpu.dma_semaphore, #tpu.memory_space<semaphore_mem>>)
      %dma_wait3A = arith.constant 0 : i32
      %dma_wait3A_56 = tpu.memref_slice %arg6[%mul3A_47, %dma_wait3A] : memref<40x128xi32, #tpu.memory_space<vmem>> -> memref<1x128xi32, #tpu.memory_space<vmem>>
      %dma_wait3A_57 = tpu.memref_squeeze %dma_wait3A_56 : memref<1x128xi32, #tpu.memory_space<vmem>> -> memref<128xi32, #tpu.memory_space<vmem>>
      %dma_wait3A_58 = arith.constant 0 : i32
      %dma_wait3A_59 = arith.constant 0 : i32
      %dma_wait3A_60 = tpu.memref_slice %arg4[%dma_wait3A_58, %dma_wait3A_59] : memref<10240x128xf32, #tpu.memory_space<hbm>> -> memref<10240x128xf32, #tpu.memory_space<hbm>>
      tpu.wait_indirect_dma semaphore(%arg11 : memref<!tpu.dma_semaphore, #tpu.memory_space<semaphore_mem>>) src(%dma_wait3A_60 : memref<10240x128xf32, #tpu.memory_space<hbm>>) dst(%arg8 : memref<128x128xf32, #tpu.memory_space<vmem>>)
      "tpu.region"() ({
        %run_scoped3A = tpu.sem_alloc : memref<!tpu.dma_semaphore, #tpu.memory_space<semaphore_mem>>
        %dma_start3A_75 = arith.constant 0 : i32
        %dma_start3A_76 = tpu.memref_slice %arg7[%mul3A_47, %dma_start3A_75] : memref<40x128xi32, #tpu.memory_space<vmem>> -> memref<1x128xi32, #tpu.memory_space<vmem>>
        %dma_start3A_77 = tpu.memref_squeeze %dma_start3A_76 : memref<1x128xi32, #tpu.memory_space<vmem>> -> memref<128xi32, #tpu.memory_space<vmem>>
        %dma_start3A_78 = arith.constant 0 : i32
        %dma_start3A_79 = arith.constant 0 : i32
        %dma_start3A_80 = tpu.memref_slice %arg10[%dma_start3A_78, %dma_start3A_79] : memref<10240x128xf32, #tpu.memory_space<vmem_shared>> -> memref<10240x128xf32, #tpu.memory_space<vmem_shared>>
        tpu.enqueue_indirect_dma source(%arg8 : memref<128x128xf32, #tpu.memory_space<vmem>>) target(%dma_start3A_80 : memref<10240x128xf32, #tpu.memory_space<vmem_shared>>) offsets(%dma_start3A_77 : memref<128xi32, #tpu.memory_space<vmem>>) semaphore(%run_scoped3A : memref<!tpu.dma_semaphore, #tpu.memory_space<semaphore_mem>>) {add = true}
        %dma_wait3A_81 = arith.constant 0 : i32
        %dma_wait3A_82 = tpu.memref_slice %arg7[%mul3A_47, %dma_wait3A_81] : memref<40x128xi32, #tpu.memory_space<vmem>> -> memref<1x128xi32, #tpu.memory_space<vmem>>
        %dma_wait3A_83 = tpu.memref_squeeze %dma_wait3A_82 : memref<1x128xi32, #tpu.memory_space<vmem>> -> memref<128xi32, #tpu.memory_space<vmem>>
        %dma_wait3A_84 = arith.constant 0 : i32
        %dma_wait3A_85 = arith.constant 0 : i32
        %dma_wait3A_86 = tpu.memref_slice %arg10[%dma_wait3A_84, %dma_wait3A_85] : memref<10240x128xf32, #tpu.memory_space<vmem_shared>> -> memref<10240x128xf32, #tpu.memory_space<vmem_shared>>
        tpu.wait_indirect_dma semaphore(%run_scoped3A : memref<!tpu.dma_semaphore, #tpu.memory_space<semaphore_mem>>) src(%arg8 : memref<128x128xf32, #tpu.memory_space<vmem>>) dst(%dma_wait3A_86 : memref<10240x128xf32, #tpu.memory_space<vmem_shared>>)
        tpu.yield
      }) : () -> ()
      %add3A_61 = arith.constant 2 : i32
      %add3A_62 = arith.addi %mul3A_47, %add3A_61 : i32
      %lt3A = arith.constant 40 : i32
      %lt3A_63 = arith.cmpi slt, %add3A_62, %lt3A : i32
      %convert_element_type3A = arith.extui %lt3A_63 : i1 to i32
      %cond3A = arith.constant 0 : i32
      %cond3A_64 = arith.cmpi ne, %convert_element_type3A, %cond3A : i32
      scf.if %cond3A_64 {
        %add3A_75 = arith.constant 2 : i32
        %add3A_76 = arith.addi %mul3A_47, %add3A_75 : i32
        %dma_start3A_77 = arith.constant 0 : i32
        %dma_start3A_78 = tpu.memref_slice %arg6[%add3A_76, %dma_start3A_77] : memref<40x128xi32, #tpu.memory_space<vmem>> -> memref<1x128xi32, #tpu.memory_space<vmem>>
        %dma_start3A_79 = tpu.memref_squeeze %dma_start3A_78 : memref<1x128xi32, #tpu.memory_space<vmem>> -> memref<128xi32, #tpu.memory_space<vmem>>
        %dma_start3A_80 = arith.constant 0 : i32
        %dma_start3A_81 = arith.constant 0 : i32
        %dma_start3A_82 = tpu.memref_slice %arg4[%dma_start3A_80, %dma_start3A_81] : memref<10240x128xf32, #tpu.memory_space<hbm>> -> memref<10240x128xf32, #tpu.memory_space<hbm>>
        tpu.enqueue_indirect_dma source(%dma_start3A_82 : memref<10240x128xf32, #tpu.memory_space<hbm>>) target(%arg8 : memref<128x128xf32, #tpu.memory_space<vmem>>) offsets(%dma_start3A_79 : memref<128xi32, #tpu.memory_space<vmem>>) semaphore(%arg11 : memref<!tpu.dma_semaphore, #tpu.memory_space<semaphore_mem>>)
      } else {
      }
      %add3A_65 = arith.constant 1 : i32
      %add3A_66 = arith.addi %mul3A_47, %add3A_65 : i32
      %dma_wait3A_67 = arith.constant 0 : i32
      %dma_wait3A_68 = tpu.memref_slice %arg6[%add3A_66, %dma_wait3A_67] : memref<40x128xi32, #tpu.memory_space<vmem>> -> memref<1x128xi32, #tpu.memory_space<vmem>>
      %dma_wait3A_69 = tpu.memref_squeeze %dma_wait3A_68 : memref<1x128xi32, #tpu.memory_space<vmem>> -> memref<128xi32, #tpu.memory_space<vmem>>
      %dma_wait3A_70 = arith.constant 0 : i32
      %dma_wait3A_71 = arith.constant 0 : i32
      %dma_wait3A_72 = tpu.memref_slice %arg4[%dma_wait3A_70, %dma_wait3A_71] : memref<10240x128xf32, #tpu.memory_space<hbm>> -> memref<10240x128xf32, #tpu.memory_space<hbm>>
      tpu.wait_indirect_dma semaphore(%arg12 : memref<!tpu.dma_semaphore, #tpu.memory_space<semaphore_mem>>) src(%dma_wait3A_72 : memref<10240x128xf32, #tpu.memory_space<hbm>>) dst(%arg9 : memref<128x128xf32, #tpu.memory_space<vmem>>)
      %add3A_73 = arith.constant 1 : i32
      %add3A_74 = arith.addi %mul3A_47, %add3A_73 : i32
      "tpu.region"() ({
        %run_scoped3A = tpu.sem_alloc : memref<!tpu.dma_semaphore, #tpu.memory_space<semaphore_mem>>
        %dma_start3A_75 = arith.constant 0 : i32
        %dma_start3A_76 = tpu.memref_slice %arg7[%add3A_74, %dma_start3A_75] : memref<40x128xi32, #tpu.memory_space<vmem>> -> memref<1x128xi32, #tpu.memory_space<vmem>>
        %dma_start3A_77 = tpu.memref_squeeze %dma_start3A_76 : memref<1x128xi32, #tpu.memory_space<vmem>> -> memref<128xi32, #tpu.memory_space<vmem>>
        %dma_start3A_78 = arith.constant 0 : i32
        %dma_start3A_79 = arith.constant 0 : i32
        %dma_start3A_80 = tpu.memref_slice %arg10[%dma_start3A_78, %dma_start3A_79] : memref<10240x128xf32, #tpu.memory_space<vmem_shared>> -> memref<10240x128xf32, #tpu.memory_space<vmem_shared>>
        tpu.enqueue_indirect_dma source(%arg9 : memref<128x128xf32, #tpu.memory_space<vmem>>) target(%dma_start3A_80 : memref<10240x128xf32, #tpu.memory_space<vmem_shared>>) offsets(%dma_start3A_77 : memref<128xi32, #tpu.memory_space<vmem>>) semaphore(%run_scoped3A : memref<!tpu.dma_semaphore, #tpu.memory_space<semaphore_mem>>) {add = true}
        %dma_wait3A_81 = arith.constant 0 : i32
        %dma_wait3A_82 = tpu.memref_slice %arg7[%add3A_74, %dma_wait3A_81] : memref<40x128xi32, #tpu.memory_space<vmem>> -> memref<1x128xi32, #tpu.memory_space<vmem>>
        %dma_wait3A_83 = tpu.memref_squeeze %dma_wait3A_82 : memref<1x128xi32, #tpu.memory_space<vmem>> -> memref<128xi32, #tpu.memory_space<vmem>>
        %dma_wait3A_84 = arith.constant 0 : i32
        %dma_wait3A_85 = arith.constant 0 : i32
        %dma_wait3A_86 = tpu.memref_slice %arg10[%dma_wait3A_84, %dma_wait3A_85] : memref<10240x128xf32, #tpu.memory_space<vmem_shared>> -> memref<10240x128xf32, #tpu.memory_space<vmem_shared>>
        tpu.wait_indirect_dma semaphore(%run_scoped3A : memref<!tpu.dma_semaphore, #tpu.memory_space<semaphore_mem>>) src(%arg9 : memref<128x128xf32, #tpu.memory_space<vmem>>) dst(%dma_wait3A_86 : memref<10240x128xf32, #tpu.memory_space<vmem_shared>>)
        tpu.yield
      }) : () -> ()
    }
    %scan3A_24 = arith.constant 20 : i32
    "tpu.region"() ({
      %run_scoped3A = tpu.sem_alloc : memref<!tpu.dma_semaphore, #tpu.memory_space<semaphore_mem>>
      %dma_start3A_45 = arith.constant 0 : i32
      %dma_start3A_46 = arith.constant 0 : i32
      %dma_start3A_47 = tpu.memref_slice %arg2[%add3A, %dma_start3A_45, %dma_start3A_46] : memref<32x80x128xi32, #tpu.memory_space<hbm>> -> memref<1x80x128xi32, #tpu.memory_space<hbm>>
      %dma_start3A_48 = tpu.memref_squeeze %dma_start3A_47 : memref<1x80x128xi32, #tpu.memory_space<hbm>> -> memref<80x128xi32, #tpu.memory_space<hbm>>
      %dma_start3A_49 = arith.constant 40 : i32
      %dma_start3A_50 = arith.constant 0 : i32
      %dma_start3A_51 = tpu.memref_slice %dma_start3A_48[%dma_start3A_49, %dma_start3A_50] : memref<80x128xi32, #tpu.memory_space<hbm>> -> memref<40x128xi32, #tpu.memory_space<hbm>>
      %dma_start3A_52 = arith.constant 0 : i32
      %dma_start3A_53 = arith.constant 0 : i32
      %dma_start3A_54 = tpu.memref_slice %arg2[%add3A, %dma_start3A_52, %dma_start3A_53] : memref<32x80x128xi32, #tpu.memory_space<hbm>> -> memref<1x80x128xi32, #tpu.memory_space<hbm>>
      %dma_start3A_55 = tpu.memref_squeeze %dma_start3A_54 : memref<1x80x128xi32, #tpu.memory_space<hbm>> -> memref<80x128xi32, #tpu.memory_space<hbm>>
      %dma_start3A_56 = arith.constant 40 : i32
      %dma_start3A_57 = arith.constant 0 : i32
      %dma_start3A_58 = tpu.memref_slice %dma_start3A_55[%dma_start3A_56, %dma_start3A_57] : memref<80x128xi32, #tpu.memory_space<hbm>> -> memref<40x128xi32, #tpu.memory_space<hbm>>
      tpu.enqueue_dma source(%dma_start3A_58 : memref<40x128xi32, #tpu.memory_space<hbm>>) target(%arg6 : memref<40x128xi32, #tpu.memory_space<vmem>>) target_semaphore(%run_scoped3A : memref<!tpu.dma_semaphore, #tpu.memory_space<semaphore_mem>>)
      %dma_wait3A = arith.constant 0 : i32
      %dma_wait3A_59 = arith.constant 0 : i32
      %dma_wait3A_60 = tpu.memref_slice %arg2[%add3A, %dma_wait3A, %dma_wait3A_59] : memref<32x80x128xi32, #tpu.memory_space<hbm>> -> memref<1x80x128xi32, #tpu.memory_space<hbm>>
      %dma_wait3A_61 = tpu.memref_squeeze %dma_wait3A_60 : memref<1x80x128xi32, #tpu.memory_space<hbm>> -> memref<80x128xi32, #tpu.memory_space<hbm>>
      %dma_wait3A_62 = arith.constant 40 : i32
      %dma_wait3A_63 = arith.constant 0 : i32
      %dma_wait3A_64 = tpu.memref_slice %dma_wait3A_61[%dma_wait3A_62, %dma_wait3A_63] : memref<80x128xi32, #tpu.memory_space<hbm>> -> memref<40x128xi32, #tpu.memory_space<hbm>>
      %dma_wait3A_65 = arith.constant 0 : i32
      %dma_wait3A_66 = arith.constant 0 : i32
      %dma_wait3A_67 = tpu.memref_slice %arg2[%add3A, %dma_wait3A_65, %dma_wait3A_66] : memref<32x80x128xi32, #tpu.memory_space<hbm>> -> memref<1x80x128xi32, #tpu.memory_space<hbm>>
      %dma_wait3A_68 = tpu.memref_squeeze %dma_wait3A_67 : memref<1x80x128xi32, #tpu.memory_space<hbm>> -> memref<80x128xi32, #tpu.memory_space<hbm>>
      %dma_wait3A_69 = arith.constant 40 : i32
      %dma_wait3A_70 = arith.constant 0 : i32
      %dma_wait3A_71 = tpu.memref_slice %dma_wait3A_68[%dma_wait3A_69, %dma_wait3A_70] : memref<80x128xi32, #tpu.memory_space<hbm>> -> memref<40x128xi32, #tpu.memory_space<hbm>>
      tpu.wait_dma2 semaphore(%run_scoped3A : memref<!tpu.dma_semaphore, #tpu.memory_space<semaphore_mem>>) src(%dma_wait3A_71 : memref<40x128xi32, #tpu.memory_space<hbm>>) dst(%arg6 : memref<40x128xi32, #tpu.memory_space<vmem>>)
      tpu.yield
    }) : () -> ()
    "tpu.region"() ({
      %run_scoped3A = tpu.sem_alloc : memref<!tpu.dma_semaphore, #tpu.memory_space<semaphore_mem>>
      %dma_start3A_45 = arith.constant 0 : i32
      %dma_start3A_46 = arith.constant 0 : i32
      %dma_start3A_47 = tpu.memref_slice %arg3[%add3A, %dma_start3A_45, %dma_start3A_46] : memref<32x80x128xi32, #tpu.memory_space<hbm>> -> memref<1x80x128xi32, #tpu.memory_space<hbm>>
      %dma_start3A_48 = tpu.memref_squeeze %dma_start3A_47 : memref<1x80x128xi32, #tpu.memory_space<hbm>> -> memref<80x128xi32, #tpu.memory_space<hbm>>
      %dma_start3A_49 = arith.constant 40 : i32
      %dma_start3A_50 = arith.constant 0 : i32
      %dma_start3A_51 = tpu.memref_slice %dma_start3A_48[%dma_start3A_49, %dma_start3A_50] : memref<80x128xi32, #tpu.memory_space<hbm>> -> memref<40x128xi32, #tpu.memory_space<hbm>>
      %dma_start3A_52 = arith.constant 0 : i32
      %dma_start3A_53 = arith.constant 0 : i32
      %dma_start3A_54 = tpu.memref_slice %arg3[%add3A, %dma_start3A_52, %dma_start3A_53] : memref<32x80x128xi32, #tpu.memory_space<hbm>> -> memref<1x80x128xi32, #tpu.memory_space<hbm>>
      %dma_start3A_55 = tpu.memref_squeeze %dma_start3A_54 : memref<1x80x128xi32, #tpu.memory_space<hbm>> -> memref<80x128xi32, #tpu.memory_space<hbm>>
      %dma_start3A_56 = arith.constant 40 : i32
      %dma_start3A_57 = arith.constant 0 : i32
      %dma_start3A_58 = tpu.memref_slice %dma_start3A_55[%dma_start3A_56, %dma_start3A_57] : memref<80x128xi32, #tpu.memory_space<hbm>> -> memref<40x128xi32, #tpu.memory_space<hbm>>
      tpu.enqueue_dma source(%dma_start3A_58 : memref<40x128xi32, #tpu.memory_space<hbm>>) target(%arg7 : memref<40x128xi32, #tpu.memory_space<vmem>>) target_semaphore(%run_scoped3A : memref<!tpu.dma_semaphore, #tpu.memory_space<semaphore_mem>>)
      %dma_wait3A = arith.constant 0 : i32
      %dma_wait3A_59 = arith.constant 0 : i32
      %dma_wait3A_60 = tpu.memref_slice %arg3[%add3A, %dma_wait3A, %dma_wait3A_59] : memref<32x80x128xi32, #tpu.memory_space<hbm>> -> memref<1x80x128xi32, #tpu.memory_space<hbm>>
      %dma_wait3A_61 = tpu.memref_squeeze %dma_wait3A_60 : memref<1x80x128xi32, #tpu.memory_space<hbm>> -> memref<80x128xi32, #tpu.memory_space<hbm>>
      %dma_wait3A_62 = arith.constant 40 : i32
      %dma_wait3A_63 = arith.constant 0 : i32
      %dma_wait3A_64 = tpu.memref_slice %dma_wait3A_61[%dma_wait3A_62, %dma_wait3A_63] : memref<80x128xi32, #tpu.memory_space<hbm>> -> memref<40x128xi32, #tpu.memory_space<hbm>>
      %dma_wait3A_65 = arith.constant 0 : i32
      %dma_wait3A_66 = arith.constant 0 : i32
      %dma_wait3A_67 = tpu.memref_slice %arg3[%add3A, %dma_wait3A_65, %dma_wait3A_66] : memref<32x80x128xi32, #tpu.memory_space<hbm>> -> memref<1x80x128xi32, #tpu.memory_space<hbm>>
      %dma_wait3A_68 = tpu.memref_squeeze %dma_wait3A_67 : memref<1x80x128xi32, #tpu.memory_space<hbm>> -> memref<80x128xi32, #tpu.memory_space<hbm>>
      %dma_wait3A_69 = arith.constant 40 : i32
      %dma_wait3A_70 = arith.constant 0 : i32
      %dma_wait3A_71 = tpu.memref_slice %dma_wait3A_68[%dma_wait3A_69, %dma_wait3A_70] : memref<80x128xi32, #tpu.memory_space<hbm>> -> memref<40x128xi32, #tpu.memory_space<hbm>>
      tpu.wait_dma2 semaphore(%run_scoped3A : memref<!tpu.dma_semaphore, #tpu.memory_space<semaphore_mem>>) src(%dma_wait3A_71 : memref<40x128xi32, #tpu.memory_space<hbm>>) dst(%arg7 : memref<40x128xi32, #tpu.memory_space<vmem>>)
      tpu.yield
    }) : () -> ()
    %dma_start3A_25 = arith.constant 0 : i32
    %dma_start3A_26 = arith.constant 0 : i32
    %dma_start3A_27 = tpu.memref_slice %arg6[%dma_start3A_25, %dma_start3A_26] : memref<40x128xi32, #tpu.memory_space<vmem>> -> memref<1x128xi32, #tpu.memory_space<vmem>>
    %dma_start3A_28 = tpu.memref_squeeze %dma_start3A_27 : memref<1x128xi32, #tpu.memory_space<vmem>> -> memref<128xi32, #tpu.memory_space<vmem>>
    %dma_start3A_29 = arith.constant 0 : i32
    %dma_start3A_30 = arith.constant 0 : i32
    %dma_start3A_31 = tpu.memref_slice %arg4[%dma_start3A_29, %dma_start3A_30] : memref<10240x128xf32, #tpu.memory_space<hbm>> -> memref<10240x128xf32, #tpu.memory_space<hbm>>
    tpu.enqueue_indirect_dma source(%dma_start3A_31 : memref<10240x128xf32, #tpu.memory_space<hbm>>) target(%arg8 : memref<128x128xf32, #tpu.memory_space<vmem>>) offsets(%dma_start3A_28 : memref<128xi32, #tpu.memory_space<vmem>>) semaphore(%arg11 : memref<!tpu.dma_semaphore, #tpu.memory_space<semaphore_mem>>)
    %scan3A_32 = arith.constant 0 : i32
    %scan3A_33 = arith.constant 0 : i32
    %scan3A_34 = arith.constant 20 : i32
    %scan3A_35 = arith.addi %scan3A_33, %scan3A_34 : i32
    %scan3A_36 = arith.constant 1 : i32
    scf.for %scan3A_45 = %scan3A_33 to %scan3A_35 step %scan3A_36  : i32 {
      %mul3A_46 = arith.constant 2 : i32
      %mul3A_47 = arith.muli %mul3A_46, %scan3A_45 : i32
      %add3A_48 = arith.constant 1 : i32
      %add3A_49 = arith.addi %mul3A_47, %add3A_48 : i32
      %dma_start3A_50 = arith.constant 0 : i32
      %dma_start3A_51 = tpu.memref_slice %arg6[%add3A_49, %dma_start3A_50] : memref<40x128xi32, #tpu.memory_space<vmem>> -> memref<1x128xi32, #tpu.memory_space<vmem>>
      %dma_start3A_52 = tpu.memref_squeeze %dma_start3A_51 : memref<1x128xi32, #tpu.memory_space<vmem>> -> memref<128xi32, #tpu.memory_space<vmem>>
      %dma_start3A_53 = arith.constant 0 : i32
      %dma_start3A_54 = arith.constant 0 : i32
      %dma_start3A_55 = tpu.memref_slice %arg4[%dma_start3A_53, %dma_start3A_54] : memref<10240x128xf32, #tpu.memory_space<hbm>> -> memref<10240x128xf32, #tpu.memory_space<hbm>>
      tpu.enqueue_indirect_dma source(%dma_start3A_55 : memref<10240x128xf32, #tpu.memory_space<hbm>>) target(%arg9 : memref<128x128xf32, #tpu.memory_space<vmem>>) offsets(%dma_start3A_52 : memref<128xi32, #tpu.memory_space<vmem>>) semaphore(%arg12 : memref<!tpu.dma_semaphore, #tpu.memory_space<semaphore_mem>>)
      %dma_wait3A = arith.constant 0 : i32
      %dma_wait3A_56 = tpu.memref_slice %arg6[%mul3A_47, %dma_wait3A] : memref<40x128xi32, #tpu.memory_space<vmem>> -> memref<1x128xi32, #tpu.memory_space<vmem>>
      %dma_wait3A_57 = tpu.memref_squeeze %dma_wait3A_56 : memref<1x128xi32, #tpu.memory_space<vmem>> -> memref<128xi32, #tpu.memory_space<vmem>>
      %dma_wait3A_58 = arith.constant 0 : i32
      %dma_wait3A_59 = arith.constant 0 : i32
      %dma_wait3A_60 = tpu.memref_slice %arg4[%dma_wait3A_58, %dma_wait3A_59] : memref<10240x128xf32, #tpu.memory_space<hbm>> -> memref<10240x128xf32, #tpu.memory_space<hbm>>
      tpu.wait_indirect_dma semaphore(%arg11 : memref<!tpu.dma_semaphore, #tpu.memory_space<semaphore_mem>>) src(%dma_wait3A_60 : memref<10240x128xf32, #tpu.memory_space<hbm>>) dst(%arg8 : memref<128x128xf32, #tpu.memory_space<vmem>>)
      "tpu.region"() ({
        %run_scoped3A = tpu.sem_alloc : memref<!tpu.dma_semaphore, #tpu.memory_space<semaphore_mem>>
        %dma_start3A_75 = arith.constant 0 : i32
        %dma_start3A_76 = tpu.memref_slice %arg7[%mul3A_47, %dma_start3A_75] : memref<40x128xi32, #tpu.memory_space<vmem>> -> memref<1x128xi32, #tpu.memory_space<vmem>>
        %dma_start3A_77 = tpu.memref_squeeze %dma_start3A_76 : memref<1x128xi32, #tpu.memory_space<vmem>> -> memref<128xi32, #tpu.memory_space<vmem>>
        %dma_start3A_78 = arith.constant 0 : i32
        %dma_start3A_79 = arith.constant 0 : i32
        %dma_start3A_80 = tpu.memref_slice %arg10[%dma_start3A_78, %dma_start3A_79] : memref<10240x128xf32, #tpu.memory_space<vmem_shared>> -> memref<10240x128xf32, #tpu.memory_space<vmem_shared>>
        tpu.enqueue_indirect_dma source(%arg8 : memref<128x128xf32, #tpu.memory_space<vmem>>) target(%dma_start3A_80 : memref<10240x128xf32, #tpu.memory_space<vmem_shared>>) offsets(%dma_start3A_77 : memref<128xi32, #tpu.memory_space<vmem>>) semaphore(%run_scoped3A : memref<!tpu.dma_semaphore, #tpu.memory_space<semaphore_mem>>) {add = true}
        %dma_wait3A_81 = arith.constant 0 : i32
        %dma_wait3A_82 = tpu.memref_slice %arg7[%mul3A_47, %dma_wait3A_81] : memref<40x128xi32, #tpu.memory_space<vmem>> -> memref<1x128xi32, #tpu.memory_space<vmem>>
        %dma_wait3A_83 = tpu.memref_squeeze %dma_wait3A_82 : memref<1x128xi32, #tpu.memory_space<vmem>> -> memref<128xi32, #tpu.memory_space<vmem>>
        %dma_wait3A_84 = arith.constant 0 : i32
        %dma_wait3A_85 = arith.constant 0 : i32
        %dma_wait3A_86 = tpu.memref_slice %arg10[%dma_wait3A_84, %dma_wait3A_85] : memref<10240x128xf32, #tpu.memory_space<vmem_shared>> -> memref<10240x128xf32, #tpu.memory_space<vmem_shared>>
        tpu.wait_indirect_dma semaphore(%run_scoped3A : memref<!tpu.dma_semaphore, #tpu.memory_space<semaphore_mem>>) src(%arg8 : memref<128x128xf32, #tpu.memory_space<vmem>>) dst(%dma_wait3A_86 : memref<10240x128xf32, #tpu.memory_space<vmem_shared>>)
        tpu.yield
      }) : () -> ()
      %add3A_61 = arith.constant 2 : i32
      %add3A_62 = arith.addi %mul3A_47, %add3A_61 : i32
      %lt3A = arith.constant 40 : i32
      %lt3A_63 = arith.cmpi slt, %add3A_62, %lt3A : i32
      %convert_element_type3A = arith.extui %lt3A_63 : i1 to i32
      %cond3A = arith.constant 0 : i32
      %cond3A_64 = arith.cmpi ne, %convert_element_type3A, %cond3A : i32
      scf.if %cond3A_64 {
        %add3A_75 = arith.constant 2 : i32
        %add3A_76 = arith.addi %mul3A_47, %add3A_75 : i32
        %dma_start3A_77 = arith.constant 0 : i32
        %dma_start3A_78 = tpu.memref_slice %arg6[%add3A_76, %dma_start3A_77] : memref<40x128xi32, #tpu.memory_space<vmem>> -> memref<1x128xi32, #tpu.memory_space<vmem>>
        %dma_start3A_79 = tpu.memref_squeeze %dma_start3A_78 : memref<1x128xi32, #tpu.memory_space<vmem>> -> memref<128xi32, #tpu.memory_space<vmem>>
        %dma_start3A_80 = arith.constant 0 : i32
        %dma_start3A_81 = arith.constant 0 : i32
        %dma_start3A_82 = tpu.memref_slice %arg4[%dma_start3A_80, %dma_start3A_81] : memref<10240x128xf32, #tpu.memory_space<hbm>> -> memref<10240x128xf32, #tpu.memory_space<hbm>>
        tpu.enqueue_indirect_dma source(%dma_start3A_82 : memref<10240x128xf32, #tpu.memory_space<hbm>>) target(%arg8 : memref<128x128xf32, #tpu.memory_space<vmem>>) offsets(%dma_start3A_79 : memref<128xi32, #tpu.memory_space<vmem>>) semaphore(%arg11 : memref<!tpu.dma_semaphore, #tpu.memory_space<semaphore_mem>>)
      } else {
      }
      %add3A_65 = arith.constant 1 : i32
      %add3A_66 = arith.addi %mul3A_47, %add3A_65 : i32
      %dma_wait3A_67 = arith.constant 0 : i32
      %dma_wait3A_68 = tpu.memref_slice %arg6[%add3A_66, %dma_wait3A_67] : memref<40x128xi32, #tpu.memory_space<vmem>> -> memref<1x128xi32, #tpu.memory_space<vmem>>
      %dma_wait3A_69 = tpu.memref_squeeze %dma_wait3A_68 : memref<1x128xi32, #tpu.memory_space<vmem>> -> memref<128xi32, #tpu.memory_space<vmem>>
      %dma_wait3A_70 = arith.constant 0 : i32
      %dma_wait3A_71 = arith.constant 0 : i32
      %dma_wait3A_72 = tpu.memref_slice %arg4[%dma_wait3A_70, %dma_wait3A_71] : memref<10240x128xf32, #tpu.memory_space<hbm>> -> memref<10240x128xf32, #tpu.memory_space<hbm>>
      tpu.wait_indirect_dma semaphore(%arg12 : memref<!tpu.dma_semaphore, #tpu.memory_space<semaphore_mem>>) src(%dma_wait3A_72 : memref<10240x128xf32, #tpu.memory_space<hbm>>) dst(%arg9 : memref<128x128xf32, #tpu.memory_space<vmem>>)
      %add3A_73 = arith.constant 1 : i32
      %add3A_74 = arith.addi %mul3A_47, %add3A_73 : i32
      "tpu.region"() ({
        %run_scoped3A = tpu.sem_alloc : memref<!tpu.dma_semaphore, #tpu.memory_space<semaphore_mem>>
        %dma_start3A_75 = arith.constant 0 : i32
        %dma_start3A_76 = tpu.memref_slice %arg7[%add3A_74, %dma_start3A_75] : memref<40x128xi32, #tpu.memory_space<vmem>> -> memref<1x128xi32, #tpu.memory_space<vmem>>
        %dma_start3A_77 = tpu.memref_squeeze %dma_start3A_76 : memref<1x128xi32, #tpu.memory_space<vmem>> -> memref<128xi32, #tpu.memory_space<vmem>>
        %dma_start3A_78 = arith.constant 0 : i32
        %dma_start3A_79 = arith.constant 0 : i32
        %dma_start3A_80 = tpu.memref_slice %arg10[%dma_start3A_78, %dma_start3A_79] : memref<10240x128xf32, #tpu.memory_space<vmem_shared>> -> memref<10240x128xf32, #tpu.memory_space<vmem_shared>>
        tpu.enqueue_indirect_dma source(%arg9 : memref<128x128xf32, #tpu.memory_space<vmem>>) target(%dma_start3A_80 : memref<10240x128xf32, #tpu.memory_space<vmem_shared>>) offsets(%dma_start3A_77 : memref<128xi32, #tpu.memory_space<vmem>>) semaphore(%run_scoped3A : memref<!tpu.dma_semaphore, #tpu.memory_space<semaphore_mem>>) {add = true}
        %dma_wait3A_81 = arith.constant 0 : i32
        %dma_wait3A_82 = tpu.memref_slice %arg7[%add3A_74, %dma_wait3A_81] : memref<40x128xi32, #tpu.memory_space<vmem>> -> memref<1x128xi32, #tpu.memory_space<vmem>>
        %dma_wait3A_83 = tpu.memref_squeeze %dma_wait3A_82 : memref<1x128xi32, #tpu.memory_space<vmem>> -> memref<128xi32, #tpu.memory_space<vmem>>
        %dma_wait3A_84 = arith.constant 0 : i32
        %dma_wait3A_85 = arith.constant 0 : i32
        %dma_wait3A_86 = tpu.memref_slice %arg10[%dma_wait3A_84, %dma_wait3A_85] : memref<10240x128xf32, #tpu.memory_space<vmem_shared>> -> memref<10240x128xf32, #tpu.memory_space<vmem_shared>>
        tpu.wait_indirect_dma semaphore(%run_scoped3A : memref<!tpu.dma_semaphore, #tpu.memory_space<semaphore_mem>>) src(%arg9 : memref<128x128xf32, #tpu.memory_space<vmem>>) dst(%dma_wait3A_86 : memref<10240x128xf32, #tpu.memory_space<vmem_shared>>)
        tpu.yield
      }) : () -> ()
    }
    %scan3A_37 = arith.constant 20 : i32
    %barrier3A_38 = arith.constant 0 : index
    tpu.barrier barrier_id(%barrier3A_38)
    %scan3A_39 = arith.constant 0 : i32
    %scan3A_40 = arith.constant 0 : i32
    %scan3A_41 = arith.constant 5 : i32
    %scan3A_42 = arith.addi %scan3A_40, %scan3A_41 : i32
    %scan3A_43 = arith.constant 1 : i32
    scf.for %scan3A_45 = %scan3A_40 to %scan3A_42 step %scan3A_43  : i32 {
      %mul3A_46 = arith.constant 640 : i32
      %mul3A_47 = arith.muli %arg1, %mul3A_46 : i32
      %mul3A_48 = arith.constant 128 : i32
      %mul3A_49 = arith.muli %scan3A_45, %mul3A_48 : i32
      %add3A_50 = arith.addi %mul3A_47, %mul3A_49 : i32
      "tpu.region"() ({
        %run_scoped3A = tpu.sem_alloc : memref<!tpu.dma_semaphore, #tpu.memory_space<semaphore_mem>>
        %dma_start3A_51 = arith.constant 0 : i32
        %dma_start3A_52 = tpu.memref_slice %arg10[%add3A_50, %dma_start3A_51] : memref<10240x128xf32, #tpu.memory_space<vmem_shared>> -> memref<128x128xf32, #tpu.memory_space<vmem_shared>>
        %dma_start3A_53 = arith.constant 0 : i32
        %dma_start3A_54 = tpu.memref_slice %arg10[%add3A_50, %dma_start3A_53] : memref<10240x128xf32, #tpu.memory_space<vmem_shared>> -> memref<128x128xf32, #tpu.memory_space<vmem_shared>>
        tpu.enqueue_dma source(%dma_start3A_54 : memref<128x128xf32, #tpu.memory_space<vmem_shared>>) target(%arg8 : memref<128x128xf32, #tpu.memory_space<vmem>>) target_semaphore(%run_scoped3A : memref<!tpu.dma_semaphore, #tpu.memory_space<semaphore_mem>>)
        %dma_wait3A = arith.constant 0 : i32
        %dma_wait3A_55 = tpu.memref_slice %arg10[%add3A_50, %dma_wait3A] : memref<10240x128xf32, #tpu.memory_space<vmem_shared>> -> memref<128x128xf32, #tpu.memory_space<vmem_shared>>
        %dma_wait3A_56 = arith.constant 0 : i32
        %dma_wait3A_57 = tpu.memref_slice %arg10[%add3A_50, %dma_wait3A_56] : memref<10240x128xf32, #tpu.memory_space<vmem_shared>> -> memref<128x128xf32, #tpu.memory_space<vmem_shared>>
        tpu.wait_dma2 semaphore(%run_scoped3A : memref<!tpu.dma_semaphore, #tpu.memory_space<semaphore_mem>>) src(%dma_wait3A_57 : memref<128x128xf32, #tpu.memory_space<vmem_shared>>) dst(%arg8 : memref<128x128xf32, #tpu.memory_space<vmem>>)
        tpu.yield
      }) : () -> ()
      "tpu.region"() ({
        %run_scoped3A = tpu.sem_alloc : memref<!tpu.dma_semaphore, #tpu.memory_space<semaphore_mem>>
        %dma_start3A_51 = arith.constant 0 : i32
        %dma_start3A_52 = arith.constant 0 : i32
        %dma_start3A_53 = tpu.memref_slice %arg5[%arg0, %dma_start3A_51, %dma_start3A_52] : memref<2x10240x128xf32, #tpu.memory_space<hbm>> -> memref<1x10240x128xf32, #tpu.memory_space<hbm>>
        %dma_start3A_54 = tpu.memref_squeeze %dma_start3A_53 : memref<1x10240x128xf32, #tpu.memory_space<hbm>> -> memref<10240x128xf32, #tpu.memory_space<hbm>>
        %dma_start3A_55 = arith.constant 0 : i32
        %dma_start3A_56 = tpu.memref_slice %dma_start3A_54[%add3A_50, %dma_start3A_55] : memref<10240x128xf32, #tpu.memory_space<hbm>> -> memref<128x128xf32, #tpu.memory_space<hbm>>
        %dma_start3A_57 = arith.constant 0 : i32
        %dma_start3A_58 = arith.constant 0 : i32
        %dma_start3A_59 = tpu.memref_slice %arg5[%arg0, %dma_start3A_57, %dma_start3A_58] : memref<2x10240x128xf32, #tpu.memory_space<hbm>> -> memref<1x10240x128xf32, #tpu.memory_space<hbm>>
        %dma_start3A_60 = tpu.memref_squeeze %dma_start3A_59 : memref<1x10240x128xf32, #tpu.memory_space<hbm>> -> memref<10240x128xf32, #tpu.memory_space<hbm>>
        %dma_start3A_61 = arith.constant 0 : i32
        %dma_start3A_62 = tpu.memref_slice %dma_start3A_60[%add3A_50, %dma_start3A_61] : memref<10240x128xf32, #tpu.memory_space<hbm>> -> memref<128x128xf32, #tpu.memory_space<hbm>>
        tpu.enqueue_dma source(%arg8 : memref<128x128xf32, #tpu.memory_space<vmem>>) target(%dma_start3A_62 : memref<128x128xf32, #tpu.memory_space<hbm>>) target_semaphore(%run_scoped3A : memref<!tpu.dma_semaphore, #tpu.memory_space<semaphore_mem>>)
        %dma_wait3A = arith.constant 0 : i32
        %dma_wait3A_63 = arith.constant 0 : i32
        %dma_wait3A_64 = tpu.memref_slice %arg5[%arg0, %dma_wait3A, %dma_wait3A_63] : memref<2x10240x128xf32, #tpu.memory_space<hbm>> -> memref<1x10240x128xf32, #tpu.memory_space<hbm>>
        %dma_wait3A_65 = tpu.memref_squeeze %dma_wait3A_64 : memref<1x10240x128xf32, #tpu.memory_space<hbm>> -> memref<10240x128xf32, #tpu.memory_space<hbm>>
        %dma_wait3A_66 = arith.constant 0 : i32
        %dma_wait3A_67 = tpu.memref_slice %dma_wait3A_65[%add3A_50, %dma_wait3A_66] : memref<10240x128xf32, #tpu.memory_space<hbm>> -> memref<128x128xf32, #tpu.memory_space<hbm>>
        %dma_wait3A_68 = arith.constant 0 : i32
        %dma_wait3A_69 = arith.constant 0 : i32
        %dma_wait3A_70 = tpu.memref_slice %arg5[%arg0, %dma_wait3A_68, %dma_wait3A_69] : memref<2x10240x128xf32, #tpu.memory_space<hbm>> -> memref<1x10240x128xf32, #tpu.memory_space<hbm>>
        %dma_wait3A_71 = tpu.memref_squeeze %dma_wait3A_70 : memref<1x10240x128xf32, #tpu.memory_space<hbm>> -> memref<10240x128xf32, #tpu.memory_space<hbm>>
        %dma_wait3A_72 = arith.constant 0 : i32
        %dma_wait3A_73 = tpu.memref_slice %dma_wait3A_71[%add3A_50, %dma_wait3A_72] : memref<10240x128xf32, #tpu.memory_space<hbm>> -> memref<128x128xf32, #tpu.memory_space<hbm>>
        tpu.wait_dma2 semaphore(%run_scoped3A : memref<!tpu.dma_semaphore, #tpu.memory_space<semaphore_mem>>) src(%arg8 : memref<128x128xf32, #tpu.memory_space<vmem>>) dst(%dma_wait3A_73 : memref<128x128xf32, #tpu.memory_space<hbm>>)
        tpu.yield
      }) : () -> ()
    }
    %scan3A_44 = arith.constant 5 : i32
    return
  }
}

module attributes {stable_mosaic.version = 14 : i64} {
  func.func @_prep_body(%arg0: i32, %arg1: memref<1280x16xf32, #tpu.memory_space<vmem>>, %arg2: memref<1280x16xf32, #tpu.memory_space<vmem>>, %arg3: memref<1280x128xf32, #tpu.memory_space<vmem>>, %arg4: memref<1280x128xf32, #tpu.memory_space<vmem>>, %arg5: memref<1280x1xf32, #tpu.memory_space<vmem>>) attributes {dimension_semantics = [#tpu.dimension_semantics<arbitrary>], iteration_bounds = array<i64: 8>, scalar_prefetch = 0 : i64, scratch_operands = 0 : i64, tpu.core_type = #tpu.core_type<tc>, window_params = [{transform_indices = @transform_0, window_bounds = array<i64: 1280, 16>}, {transform_indices = @transform_1, window_bounds = array<i64: 1280, 16>}, {transform_indices = @transform_2, window_bounds = array<i64: 1280, 128>}, {transform_indices = @transform_3, window_bounds = array<i64: 1280, 128>}, {transform_indices = @transform_4, window_bounds = array<i64: 1280, 1>}]} {
    %get3A = arith.constant 0 : index
    %get3A_0 = arith.constant 0 : index
    %get3A_1 = vector.load %arg1[%get3A, %get3A_0] : memref<1280x16xf32, #tpu.memory_space<vmem>>, vector<1280x16xf32>
    %get3A_2 = arith.constant 0 : index
    %get3A_3 = arith.constant 0 : index
    %get3A_4 = vector.load %arg2[%get3A_2, %get3A_3] : memref<1280x16xf32, #tpu.memory_space<vmem>>, vector<1280x16xf32>
    %add3A = arith.addf %get3A_1, %get3A_4 : vector<1280x16xf32>
    %reduce_sum3A = arith.constant dense<0.000000e+00> : vector<1280xf32>
    %reduce_sum3A_5 = vector.multi_reduction <add>, %add3A, %reduce_sum3A [1] : vector<1280x16xf32> to vector<1280xf32>
    %broadcast_in_dim3A = vector.shape_cast %reduce_sum3A_5 : vector<1280xf32> to vector<1280x1xf32>
    %add3A_6 = arith.constant 1.000000e+00 : f32
    %add3A_7 = vector.broadcast %add3A_6 : f32 to vector<1280x1xf32>
    %add3A_8 = arith.addf %broadcast_in_dim3A, %add3A_7 : vector<1280x1xf32>
    %rsqrt3A = math.rsqrt %add3A_8 : vector<1280x1xf32>
    %div3A = arith.divf %rsqrt3A, %add3A_8 : vector<1280x1xf32>
    %swap3A = arith.constant 0 : index
    %swap3A_9 = arith.constant 0 : index
    %swap3A_10 = vector.load %arg5[%swap3A, %swap3A_9] : memref<1280x1xf32, #tpu.memory_space<vmem>>, vector<1280x1xf32>
    tpu.vector_store %arg5[%swap3A, %swap3A_9], %div3A {strides = array<i32>} : memref<1280x1xf32, #tpu.memory_space<vmem>>, vector<1280x1xf32>,
    %get3A_11 = arith.constant 0 : index
    %get3A_12 = arith.constant 0 : index
    %get3A_13 = vector.load %arg3[%get3A_11, %get3A_12] : memref<1280x128xf32, #tpu.memory_space<vmem>>, vector<1280x128xf32>
    %mul3A = vector.broadcast %rsqrt3A : vector<1280x1xf32> to vector<1280x128xf32>
    %mul3A_14 = arith.mulf %get3A_13, %mul3A : vector<1280x128xf32>
    %swap3A_15 = arith.constant 0 : index
    %swap3A_16 = arith.constant 0 : index
    %swap3A_17 = vector.load %arg4[%swap3A_15, %swap3A_16] : memref<1280x128xf32, #tpu.memory_space<vmem>>, vector<1280x128xf32>
    tpu.vector_store %arg4[%swap3A_15, %swap3A_16], %mul3A_14 {strides = array<i32>} : memref<1280x128xf32, #tpu.memory_space<vmem>>, vector<1280x128xf32>,
    return
  }
  func.func @transform_0(%arg0: i32) -> (i32, i32) {
    %c0_i32 = arith.constant 0 : i32
    %c0_i32_0 = arith.constant 0 : i32
    return %arg0, %c0_i32 : i32, i32
  }
  func.func @transform_1(%arg0: i32) -> (i32, i32) {
    %c0_i32 = arith.constant 0 : i32
    %c0_i32_0 = arith.constant 0 : i32
    return %arg0, %c0_i32 : i32, i32
  }
  func.func @transform_2(%arg0: i32) -> (i32, i32) {
    %c0_i32 = arith.constant 0 : i32
    %c0_i32_0 = arith.constant 0 : i32
    return %arg0, %c0_i32 : i32, i32
  }
  func.func @transform_3(%arg0: i32) -> (i32, i32) {
    %c0_i32 = arith.constant 0 : i32
    %c0_i32_0 = arith.constant 0 : i32
    return %arg0, %c0_i32 : i32, i32
  }
  func.func @transform_4(%arg0: i32) -> (i32, i32) {
    %c0_i32 = arith.constant 0 : i32
    %c0_i32_0 = arith.constant 0 : i32
    return %arg0, %c0_i32 : i32, i32
  }
}

module attributes {stable_mosaic.version = 14 : i64} {
  func.func @_final_body(%arg0: i32, %arg1: memref<1280x128xf32, #tpu.memory_space<vmem>>, %arg2: memref<1280x128xf32, #tpu.memory_space<vmem>>, %arg3: memref<1280x128xf32, #tpu.memory_space<vmem>>, %arg4: memref<1280x1xf32, #tpu.memory_space<vmem>>, %arg5: memref<128x128xf32, #tpu.memory_space<vmem>>, %arg6: memref<128x128xf32, #tpu.memory_space<vmem>>, %arg7: memref<1280x128xf32, #tpu.memory_space<vmem>>) attributes {dimension_semantics = [#tpu.dimension_semantics<arbitrary>], iteration_bounds = array<i64: 8>, scalar_prefetch = 0 : i64, scratch_operands = 0 : i64, tpu.core_type = #tpu.core_type<tc>, window_params = [{transform_indices = @transform_0, window_bounds = array<i64: 1280, 128>}, {transform_indices = @transform_1, window_bounds = array<i64: 1280, 128>}, {transform_indices = @transform_2, window_bounds = array<i64: 1280, 128>}, {transform_indices = @transform_3, window_bounds = array<i64: 1280, 1>}, {pipeline_mode = #tpu.pipeline_mode<synchronous>, transform_indices = @transform_4, window_bounds = array<i64: 128, 128>}, {pipeline_mode = #tpu.pipeline_mode<synchronous>, transform_indices = @transform_5, window_bounds = array<i64: 128, 128>}, {transform_indices = @transform_6, window_bounds = array<i64: 1280, 128>}]} {
    %get3A = arith.constant 0 : index
    %get3A_0 = arith.constant 0 : index
    %get3A_1 = vector.load %arg1[%get3A, %get3A_0] : memref<1280x128xf32, #tpu.memory_space<vmem>>, vector<1280x128xf32>
    %get3A_2 = arith.constant 0 : index
    %get3A_3 = arith.constant 0 : index
    %get3A_4 = vector.load %arg2[%get3A_2, %get3A_3] : memref<1280x128xf32, #tpu.memory_space<vmem>>, vector<1280x128xf32>
    %add3A = arith.addf %get3A_1, %get3A_4 : vector<1280x128xf32>
    %get3A_5 = arith.constant 0 : index
    %get3A_6 = arith.constant 0 : index
    %get3A_7 = vector.load %arg3[%get3A_5, %get3A_6] : memref<1280x128xf32, #tpu.memory_space<vmem>>, vector<1280x128xf32>
    %add3A_8 = arith.addf %add3A, %get3A_7 : vector<1280x128xf32>
    %get3A_9 = arith.constant 0 : index
    %get3A_10 = arith.constant 0 : index
    %get3A_11 = vector.load %arg4[%get3A_9, %get3A_10] : memref<1280x1xf32, #tpu.memory_space<vmem>>, vector<1280x1xf32>
    %mul3A = vector.broadcast %get3A_11 : vector<1280x1xf32> to vector<1280x128xf32>
    %mul3A_12 = arith.mulf %add3A_8, %mul3A : vector<1280x128xf32>
    %get3A_13 = arith.constant 0 : index
    %get3A_14 = arith.constant 0 : index
    %get3A_15 = vector.load %arg5[%get3A_13, %get3A_14] : memref<128x128xf32, #tpu.memory_space<vmem>>, vector<128x128xf32>
    %dot_general3A = arith.constant dense<0.000000e+00> : vector<1280x128xf32>
    %dot_general3A_16 = tpu.matmul %mul3A_12, %get3A_15, %dot_general3A {dimension_numbers = #tpu.dot_dimension_numbers<[1], [0], [0], [1], [0, 0, 1, 1], [], []>, transpose_lhs_hint = false} : vector<1280x128xf32>, vector<128x128xf32>, vector<1280x128xf32> -> vector<1280x128xf32>
    %get3A_17 = arith.constant 0 : index
    %get3A_18 = arith.constant 0 : index
    %get3A_19 = vector.load %arg6[%get3A_17, %get3A_18] : memref<128x128xf32, #tpu.memory_space<vmem>>, vector<128x128xf32>
    %dot_general3A_20 = arith.constant dense<0.000000e+00> : vector<1280x128xf32>
    %dot_general3A_21 = tpu.matmul %mul3A_12, %get3A_19, %dot_general3A_20 {dimension_numbers = #tpu.dot_dimension_numbers<[1], [0], [0], [1], [0, 0, 1, 1], [], []>, transpose_lhs_hint = false} : vector<1280x128xf32>, vector<128x128xf32>, vector<1280x128xf32> -> vector<1280x128xf32>
    %max3A = arith.constant 0.000000e+00 : f32
    %max3A_22 = vector.broadcast %max3A : f32 to vector<1280x128xf32>
    %max3A_23 = arith.maximumf %dot_general3A_16, %max3A_22 : vector<1280x128xf32>
    %logistic3A = arith.negf %dot_general3A_21 : vector<1280x128xf32>
    %logistic3A_24 = math.exp %logistic3A : vector<1280x128xf32>
    %logistic3A_25 = arith.constant 1.000000e+00 : f32
    %logistic3A_26 = vector.broadcast %logistic3A_25 : f32 to vector<1280x128xf32>
    %logistic3A_27 = arith.addf %logistic3A_26, %logistic3A_24 : vector<1280x128xf32>
    %logistic3A_28 = arith.divf %logistic3A_26, %logistic3A_27 : vector<1280x128xf32>
    %mul3A_29 = arith.mulf %max3A_23, %logistic3A_28 : vector<1280x128xf32>
    %swap3A = arith.constant 0 : index
    %swap3A_30 = arith.constant 0 : index
    %swap3A_31 = vector.load %arg7[%swap3A, %swap3A_30] : memref<1280x128xf32, #tpu.memory_space<vmem>>, vector<1280x128xf32>
    tpu.vector_store %arg7[%swap3A, %swap3A_30], %mul3A_29 {strides = array<i32>} : memref<1280x128xf32, #tpu.memory_space<vmem>>, vector<1280x128xf32>,
    return
  }
  func.func @transform_0(%arg0: i32) -> (i32, i32) {
    %c0_i32 = arith.constant 0 : i32
    %c0_i32_0 = arith.constant 0 : i32
    return %arg0, %c0_i32 : i32, i32
  }
  func.func @transform_1(%arg0: i32) -> (i32, i32) {
    %c0_i32 = arith.constant 0 : i32
    %c0_i32_0 = arith.constant 0 : i32
    return %arg0, %c0_i32 : i32, i32
  }
  func.func @transform_2(%arg0: i32) -> (i32, i32) {
    %c0_i32 = arith.constant 0 : i32
    %c0_i32_0 = arith.constant 0 : i32
    return %arg0, %c0_i32 : i32, i32
  }
  func.func @transform_3(%arg0: i32) -> (i32, i32) {
    %c0_i32 = arith.constant 0 : i32
    %c0_i32_0 = arith.constant 0 : i32
    return %arg0, %c0_i32 : i32, i32
  }
  func.func @transform_4(%arg0: i32) -> (i32, i32) {
    %c0_i32 = arith.constant 0 : i32
    %c0_i32_0 = arith.constant 0 : i32
    %c0_i32_1 = arith.constant 0 : i32
    return %c0_i32, %c0_i32_0 : i32, i32
  }
  func.func @transform_5(%arg0: i32) -> (i32, i32) {
    %c0_i32 = arith.constant 0 : i32
    %c0_i32_0 = arith.constant 0 : i32
    %c0_i32_1 = arith.constant 0 : i32
    return %c0_i32, %c0_i32_0 : i32, i32
  }
  func.func @transform_6(%arg0: i32) -> (i32, i32) {
    %c0_i32 = arith.constant 0 : i32
    %c0_i32_0 = arith.constant 0 : i32
    return %arg0, %c0_i32 : i32, i32
  }
}

</mosaic_0001>

<sc_bundles>
// kernel: kernel.6.cloned.1.call-start
scs
__scs_entry_jumppad:
0x0: {  	(pc) =	sbr.rel $0x88, $3  }
0x1: {  	(tag) =	ssettag $0x0;
	lr =	simm.s32 $0x1  }
0x2: {  	[smem:$0x3F9D] =	sst lr;
	_ =	strace $0xD0000000  }
0x3: {  	_ = 	snop  }
0x4: {  	_ = 	snop  }
0x5: {  	_ = 	snop  }
0x6: {  	_ = 	snop  }
0x7: {  	_ = 	snop  }
__scs_overlays_trampoline_lowered:
0x8: {  	[smem:$0x3FAC] =	sst s0  }
0x9: {  	[smem:$0x3FAD] =	sst s1  }
0xa: {  	[smem:$0x3FAE] =	sst s2  }
0xb: {  	[smem:$0x3FAF] =	sst s3  }
0xc: {  	[smem:$0x3FB0] =	sst s4  }
0xd: {  	[smem:$0x3FB1] =	sst s5  }
0xe: {  	[smem:$0x3FB2] =	sst s6  }
0xf: {  	[smem:$0x3FB3] =	sst s7  }
0x10: {  	[smem:$0x3FB4] =	sst s8  }
0x11: {  	[smem:$0x3FB5] =	sst s9;
	s0 =	simm.s32 @!p0 $0x0  }
0x12: {  	s1 =	sld [smem:$0x3F9B];
	s0 =	simm.s32 @p0 $0x1  }
0x13: {  	[smem:$0x3FB6] =	sst s0;
	s0 =	simm.s32 @!p1 $0x0  }
0x14: {  	s2 =	sld [smem:$0x3F9A];
	s0 =	simm.s32 @p1 $0x1  }
0x15: {  	[smem:$0x3FB7] =	sst s0;
	s0 =	simm.s32 @!p2 $0x0  }
0x16: {  	s3 =	sld [smem:$0x3FDB];
	s0 =	simm.s32 @p2 $0x1  }
0x17: {  	s4 =	simm.s32 $0x1BF5;
	[smem:$0x3FB9] =	sst s0  }
0x18: {  	s0 =	sld [smem:$0x3F9C];
	_ =	swait.ge [sflag:s4], $0x0  }
0x19: {  	s7 =	sld [smem:$0x3F9D]  }
0x1a: {  	s8 =	sadd.s32 $0xFFFFE003, lr  }
0x1b: {  	s9 =	sadd.s32 $0xFFFFFEF7, lr;
	s5 =	simm.s32 $0xFFFFFFFF;
	p2 =	slt.u32 s8, $0xFFFFF086  }
0x1c: {  	p1 =	slt.u32 s9, $0xF7A;
	s5 =	simm.s32 @!p2 $0x0  }
0x1d: {  	s5 =	simm.s32 @p1 $0x1;
	p0 =	seq.s32 s7, s2  }
0x1e: {  	s7 =	smul.u32 @!p0 $0xF7A, s2;
	p2 =	seq.s32 @!p0 s5, $0x0  }
0x1f: {  	s9 =	smul.u32 $0xF7A, s1;
	s8 =	simm.s32 @!p0 $0x1BF5;
	p2 =	por !p2, p0  }
0x20: {  	[sflag:s8] =	ssyncset.s32 @!p0 $0xFFFFF086;
	s6 =	sadd.s32 @!p0 s3, s7;
	s7 =	simm.s32 @!p0 $0x108  }
0x21: {  	s3 =	sadd.s32 s3, s9;
	s6 =	sadd.s32 @!p0 $0x88, s6;
	s7 =	simm.s32 @p2 $0x1082  }
0x22: {  	[simem:s7], [sflag:s8] =	dma.local @!p0 [hbm:s6], $0xF7A  }
0x23: {  	s9 =	sor.u32 $0xD0000000, s2;
	s6 =	simm.s32 $0x108;
	_ =	swait.ge @!p0 [sflag:s8], $0x0  }
0x24: {  	s3 =	sadd.s32 $0x88, s3;
	s6 =	simm.s32 @!p1 $0x1082;
	[sflag:s4] =	ssyncset.s32 $0xFFFFF086  }
0x25: {  	[simem:s6], [sflag:s4] =	dma.local [hbm:s3], $0xF7A  }
0x26: {  	[smem:$0x3F9D] =	sst s1;
	(tag) =	ssettag s2;
	_ =	strace s9  }
0x27: {  	s1 =	sld [smem:$0x3FAD]  }
0x28: {  	s2 =	sld [smem:$0x3FAE]  }
0x29: {  	s4 =	sld [smem:$0x3FB0]  }
0x2a: {  	p0 =	seq.s32 s5, $0x0;
	s5 =	sld [smem:$0x3FB1]  }
0x2b: {  	s6 =	sld [smem:$0x3FB2]  }
0x2c: {  	s7 =	sld [smem:$0x3FB3]  }
0x2d: {  	s3 =	simm.s32 $0x108;
	s8 =	sld [smem:$0x3FB4]  }
0x2e: {  	s3 =	simm.s32 @!p0 $0x1082;
	s9 =	sld [smem:$0x3FB5]  }
0x2f: {  	lr =	sadd.s32 s0, s3;
	s0 =	sld [smem:$0x3FAC]  }
0x30: {  	s3 =	sld [smem:$0x3FAF]  }
0x31: {  	[smem:$0x3FB8] =	sst s10  }
0x32: {  	s10 =	sld [smem:$0x3FB6];
	_ =	sdelay $0x3  }
0x33: {  	p0 =	seq.s32 s10, $0x1;
	s10 =	sld [smem:$0x3FB8];
	_ =	sdelay $0x3  }
0x34: {  	[smem:$0x3FB8] =	sst s10  }
0x35: {  	s10 =	sld [smem:$0x3FB7];
	_ =	sdelay $0x3  }
0x36: {  	p1 =	seq.s32 s10, $0x1;
	s10 =	sld [smem:$0x3FB8];
	_ =	sdelay $0x3  }
0x37: {  	[smem:$0x3FB8] =	sst s10  }
0x38: {  	s10 =	sld [smem:$0x3FB9]  }
0x39: {  	_ = 	snop;
	(pc) =	sbr.ind lr, $3  }
0x3a: {  	_ = 	snop  }
0x3b: {  	_ = 	snop  }
0x3c: {  	p2 =	seq.s32 s10, $0x1;
	s10 =	sld [smem:$0x3FB8]  }
0x3d: {  	_ =	shalt  }
0x3e: {  	_ =	shalt  }
0x3f: {  	_ =	shalt  }
0x40: {  	_ =	shalt  }
0x41: {  	_ =	shalt  }
0x42: {  	_ =	shalt  }
0x43: {  	_ =	shalt  }
0x44: {  	_ =	shalt  }
0x45: {  	_ =	shalt  }
0x46: {  	_ =	shalt  }
0x47: {  	_ =	shalt  }
0x48: {  	_ =	shalt  }
0x49: {  	_ =	shalt  }
0x4a: {  	_ =	shalt  }
0x4b: {  	_ =	shalt  }
0x4c: {  	_ =	shalt  }
0x4d: {  	_ =	shalt  }
0x4e: {  	_ =	shalt  }
0x4f: {  	_ =	shalt  }
0x50: {  	_ =	shalt  }
0x51: {  	_ =	shalt  }
0x52: {  	_ =	shalt  }
0x53: {  	_ =	shalt  }
0x54: {  	_ =	shalt  }
0x55: {  	_ =	shalt  }
0x56: {  	_ =	shalt  }
0x57: {  	_ =	shalt  }
0x58: {  	_ =	shalt  }
0x59: {  	_ =	shalt  }
0x5a: {  	_ =	shalt  }
0x5b: {  	_ =	shalt  }
0x5c: {  	_ =	shalt  }
0x5d: {  	_ =	shalt  }
0x5e: {  	_ =	shalt  }
0x5f: {  	_ =	shalt  }
0x60: {  	_ =	shalt  }
0x61: {  	_ =	shalt  }
0x62: {  	_ =	shalt  }
0x63: {  	_ =	shalt  }
0x64: {  	_ =	shalt  }
0x65: {  	_ =	shalt  }
0x66: {  	_ =	shalt  }
0x67: {  	_ =	shalt  }
0x68: {  	_ =	shalt  }
0x69: {  	_ =	shalt  }
0x6a: {  	_ =	shalt  }
0x6b: {  	_ =	shalt  }
0x6c: {  	_ =	shalt  }
0x6d: {  	_ =	shalt  }
0x6e: {  	_ =	shalt  }
0x6f: {  	_ =	shalt  }
0x70: {  	_ =	shalt  }
0x71: {  	_ =	shalt  }
0x72: {  	_ =	shalt  }
0x73: {  	_ =	shalt  }
0x74: {  	_ =	shalt  }
0x75: {  	_ =	shalt  }
0x76: {  	_ =	shalt  }
0x77: {  	_ =	shalt  }
0x78: {  	_ =	shalt  }
0x79: {  	_ =	shalt  }
0x7a: {  	_ =	shalt  }
0x7b: {  	_ =	shalt  }
0x7c: {  	_ =	shalt  }
0x7d: {  	_ =	shalt  }
0x7e: {  	_ =	shalt  }
0x7f: {  	_ =	shalt  }
0x80: {  	_ =	shalt  }
0x81: {  	_ =	shalt  }
0x82: {  	_ =	shalt  }
0x83: {  	_ =	shalt  }
0x84: {  	_ =	shalt  }
0x85: {  	_ =	shalt  }
0x86: {  	_ =	shalt  }
0x87: {  	_ =	shalt  }
.Lfunc_end0:
.L_simem_size_0:
called_computation_lowered:
.L_overlay_start_0:
0x88: {  	s2 =	sld [smem:$0x3FD9]  }
0x89: {  	s3 =	sld [smem:$0x3FFE];
	_ =	sdelay $0x1  }
0x8a: {  	s1 =	srdreg.scid  }
0x8b: {  	s0 =	sand.u32 $0x1, s1  }
0x8c: {  	s16 =	sshll.u32 s0, $0xA;
	s2 =	sadd.s32 s3, s2  }
0x8d: {  	s2 =	sadd.s32 s2, s16  }
0x8e: {  	[smem:$0x3FC4] =	sst s2  }
0x8f: {  	_ = 	snop  }
0x90: {  	(tm) =	ssettm $0x1  }
0x91: {  	s17 =	sld [smem:$0x3FFB];
	_ =	sdelay $0x3  }
0x92: {  	_ =	strace s17  }
0x93: {  	s2 =	sld [smem:$0x3FFC];
	_ =	sdelay $0x3  }
0x94: {  	_ =	strace s2  }
0x95: {  	s2 =	sld [smem:$0x3FFD];
	_ =	sdelay $0x3  }
0x96: {  	_ =	strace s2  }
0x97: {  	_ =	strace $0x8FFFFFFF  }
0x98: {  	s18 =	sld [smem:$0x3FDB];
	_ =	sdelay $0x1  }
0x99: {  	s19 =	simm.s32 $_scs_section_size  }
0x9a: {  	s4 =	simm.s32 $_size__tile_overlayer_lowered;
	s5 =	simm.s32 $_tile_overlayer_lowered  }
0x9b: {  	s22 =	simm.s32 $0x1BFF;
	s21 =	sshll.u32 s5, $0x1;
	s2 =	sadd.s32 s19, s18  }
0x9c: {  	s6 =	simm.s32 $0x0;
	s20 =	sshll.u32 s4, $0x1;
	s4 =	sadd.s32 s21, s2  }
0x9d: {  	[timem:s6], [sflag:s22] =	dma.local [hbm:s4], s20  }
0x9e: {  	_ =	swait.ge [sflag:s22], s20  }
0x9f: {  	s3 =	ssub.s32 $0x0, s20;
	[sflag:s22] =	ssyncset.done $0x0  }
0xa0: {  	[sflag:s22] =	ssyncadd.s32 s3;
	_ =	sdelay $0x1  }
0xa1: {  	s23 =	simm.s32 $0x1B8B  }
0xa2: {  	_ =	swait.ge [sflag:s23], $0x1  }
0xa3: {  	[sflag:s23] =	ssyncset.done $0x0  }
0xa4: {  	s25 =	simm.s32 $0x1B8E;
	s24 =	sld [smem:$0x3FFE];
	[sflag:s23] =	ssyncadd.s32 $0xFFFFFFFF  }
0xa5: {  	s26 =	simm.s32 $execute0_lowered;
	[smem:$0x3FD2] =	sst s25  }
0xa6: {  	s4 =	sshll.u32 s26, $0x1;
	_ =	strace $0x80000046;
	[dreg:$0x1] =	wrdreg $0xFFFFFFFF  }
0xa7: {  	s28 =	simm.s32 $_size_execute0_lowered;
	s2 =	sadd.s32 s2, s4;
	[dreg:$0x0] =	wrdreg $0x0  }
0xa8: {  	s4 =	sshll.u32 s28, $0x1;
	[dreg:$0x2] =	wrdreg s2  }
0xa9: {  	[dreg:$0x3] =	wrdreg s4  }
0xaa: {  	[dreg:$0x4] =	wrdreg $0xC0  }
0xab: {  	_ =	task [dreg:s6], $0x5FFFF  }
0xac: {  	[dreg:$0x1] =	wrdreg $0xFFFFFFFF  }
0xad: {  	[dreg:$0x0] =	wrdreg $0x60  }
0xae: {  	[dreg:$0x2] =	wrdreg s24  }
0xaf: {  	[dreg:$0x3] =	wrdreg $0xA8000  }
0xb0: {  	[dreg:$0x4] =	wrdreg $0x9  }
0xb1: {  	_ =	task.clear_ibuf [dreg:s6], $0x5FFFF;
	_ =	strace $0x90000046  }
0xb2: {  	s29 =	simm.s32 $0x9;
	_ =	strace $0x80000048  }
0xb3: {  	_ =	swait.ge [sflag:s29], $0x1  }
0xb4: {  	[sflag:s29] =	ssyncadd.s32 $0xFFFFFFFF  }
0xb5: {  	_ =	strace $0x90000048  }
0xb6: {  	_ =	sfence  }
0xb7: {  	s30 =	sld [smem:$0x0];
	_ =	sdelay $0x2  }
0xb8: {  	s31 =	sshll.u32 s1, $0xD;
	s1 =	sshrl.u32 s1, $0x2  }
0xb9: {  	s3 =	sand.u32 $0x4000, s31;
	s1 =	sadd.s32 s1, s30  }
0xba: {  	s0 =	sor.u32 s3, s0;
	s1 =	sshll.u32 s1, $0x11  }
0xbb: {  	s0 =	sor.u32 s1, s0  }
0xbc: {  	s0 =	sadd.s32 $0x8F2B, s0  }
0xbd: {  	[sflag:s0] =	ssyncadd.remote.s32 $0x1  }
0xbe: {  	_ =	sfence.sel $0xFFFF  }
0xbf: {  	[dreg:$0x0] =	wrdreg $0xFFFFFFFF;
	(pc) =	sbr.abs _section_cstart, $3  }
0xc0: {  	[dreg:$0x1] =	wrdreg $0xFFFFFFFF  }
0xc1: {  	_ =	task.clear_ibuf [dreg:s6], $0x2FFFF;
	_ =	strace $0x9FFFFFFF  }
0xc2: {  	(tm) =	ssettm $0x7FFFFFFF  }
0xc3: {  	_ =	shalt  }
tec
execute0_lowered:
.L_overlay_start_1:
0x0: {  	(tag) =	ssettag $0x1  }
0x1: {  	s1 =	srdreg.scid  }
0x2: {  	s0 =	stileid.u32;
	s5 =	rddreg [dreg:$0x0]  }
0x3: {  	s2 =	rddreg [dreg:$0x1];
	s8 =	smul.u32 $0x50000, s0  }
0x4: {  	s3 =	simm.s32 $0x0;
	s17 =	simm.s32 $0x80;
	s13 =	smul.u32 $0x280, s0  }
0x5: {  	s4 =	sand.u32 $0x1, s1;
	s26 =	sshll.u32 s0, $0x1;
	s19 =	smul.u32 $0x2800, s0  }
0x6: {  	s18 =	simm.s32 $0x2800;
	s1 =	sor.u32 s4, s26;
	s7 =	smul.u32 $0x28000, s4  }
0x7: {  	[smem:$0x7FF] =	sst s3;
	s4 =	ssub.s32 $0x2, s4;
	s6 =	smul.u32 $0x500, s1  }
0x8: {  	s1 =	rddreg [dreg:$0x2];
	_ =	strace $0x80000047;
	s9 =	sshrl.u32 s4, $0x1  }
0x9: {  	s28 =	sshrl.u32 s8, $0x2;
	s12 =	sadd.s32 $0x80, s13;
	s14 =	sadd.s32 $0x100, s13  }
0xa: {  	s29 =	sadd.s32 $0x180, s13;
	s16 =	sadd.s32 $0x200, s13;
	s7 =	sadd.s32 s7, s5  }
0xb: {  	s9 =	ssub.s32 s4, s9;
	s11 =	sshll.u32 s12, $0x7;
	s15 =	sshll.u32 s14, $0x7  }
0xc: {  	s20 =	sshll.u32 s12, $0x4;
	s21 =	sshll.u32 s14, $0x4;
	s30 =	sshll.u32 s29, $0x7  }
0xd: {  	s22 =	sshll.u32 s29, $0x4;
	s31 =	sshll.u32 s16, $0x7;
	s24 =	sshll.u32 s16, $0x4  }
0xe: {  	s16 =	simm.s32 $0x6800;
	s6 =	sadd.s32 s6, s5;
	s5 =	sadd.s32 s28, s2  }
0xf: {  	s23 =	sadd.s32 $0xBA00, s7;
	s11 =	sadd.s32 s11, s2;
	s12 =	sadd.s32 s15, s2  }
0x10: {  	s13 =	sadd.s32 s30, s2;
	s14 =	sadd.s32 s31, s2;
	s15 =	simm.s32 $0x1  }
0x11: {  	s4 =	sadd.s32 $0x1A00, s6;
	s6 =	smax.u32 s9, $0x1;
	s7 =	sadd.s32 $0x4000, s5  }
0x12: {  	s8 =	sadd.s32 $0x8000, s5;
	s9 =	sadd.s32 $0xC000, s5;
	s10 =	sadd.s32 $0x10000, s5  }
0x13: {  	vm0 =	vcmask $0x300;
	v0 =	vimm.f32 $0.0e+00;
	s19 =	sadd.s32 s19, s23;
	s20 =	sadd.s32 s20, s23;
	s21 =	sadd.s32 s21, s23  }
0x14: {  	v1 =	vsel vm0, $0x3F800000, v0;
	s22 =	sadd.s32 s22, s23;
	s23 =	sadd.s32 s24, s23;
	s24 =	simm.s32 $0x0  }
.LBB2_1:
0x15: {  	[tilespmem:s3], [sflag:$0x1] =	stream.linear.gather [hbm4b:s4+s3], $0x2800, $0x38;
	[tilespmem:$0xD000] =	vst v63  }
0x16: {  	_ =	swait.ge [sflag:s15], $0x2800  }
0x17: {  	[sflag:s15] =	ssyncset.done $0x0  }
0x18: {  	s25 =	simm.s32 $0x200;
	s26 =	simm.s32 $0x0;
	[sflag:s15] =	ssyncadd.s32 $0xFFFFD800  }
.LBB2_2:
0x19: {  	p0 =	sne.s32 s25, $0xFE00;
	[tilespmem:s26+$0x2800] =	vst v1;
	s28 =	smov.u32 s25;
	s25 =	sadd.s32 $0x200, s25  }
.Ltmp0:
0x1a: {  	[tilespmem:s26+$0x6800] =	vst v0;
	(pc) =	sbr.rel @p0 .LBB2_2-.Ltmp0, $2  }
0x1b: {  	_ =	sdelay $0x2  }
0x1c: {  	s26 =	sshra.s32 s28, $0x2  }
0x1d: {  	[tilespmem:s26+$0x2800] =	vst v1  }
0x1e: {  	[tilespmem:s26+$0x6800] =	vst v0  }
0x1f: {  	[spmem:s5] =	stream.linear.scatter [tilespmem:s16], [sflag:$0x1], $0x4000, $0x38;
	[tilespmem:$0xD000] =	vst v63  }
0x20: {  	_ =	swait.ge [sflag:s15], $0x4000  }
0x21: {  	[sflag:s15] =	ssyncset.done $0x0  }
0x22: {  	[sflag:s15] =	ssyncadd.s32 $0xFFFFC000  }
0x23: {  	[spmem:s7] =	stream.linear.scatter [tilespmem:s16], [sflag:$0x1], $0x4000, $0x38;
	[tilespmem:$0xD000] =	vst v63  }
0x24: {  	_ =	swait.ge [sflag:s15], $0x4000  }
0x25: {  	[sflag:s15] =	ssyncset.done $0x0  }
0x26: {  	[sflag:s15] =	ssyncadd.s32 $0xFFFFC000  }
0x27: {  	[spmem:s8] =	stream.linear.scatter [tilespmem:s16], [sflag:$0x1], $0x4000, $0x38;
	[tilespmem:$0xD000] =	vst v63  }
0x28: {  	_ =	swait.ge [sflag:s15], $0x4000  }
0x29: {  	[sflag:s15] =	ssyncset.done $0x0  }
0x2a: {  	[sflag:s15] =	ssyncadd.s32 $0xFFFFC000  }
0x2b: {  	[spmem:s9] =	stream.linear.scatter [tilespmem:s16], [sflag:$0x1], $0x4000, $0x38;
	[tilespmem:$0xD000] =	vst v63  }
0x2c: {  	_ =	swait.ge [sflag:s15], $0x4000  }
0x2d: {  	[sflag:s15] =	ssyncset.done $0x0  }
0x2e: {  	[sflag:s15] =	ssyncadd.s32 $0xFFFFC000  }
0x2f: {  	[spmem:s10] =	stream.linear.scatter [tilespmem:s16], [sflag:$0x1], $0x4000, $0x38;
	[tilespmem:$0xD000] =	vst v63  }
0x30: {  	_ =	swait.ge [sflag:s15], $0x4000  }
0x31: {  	[sflag:s15] =	ssyncset.done $0x0  }
0x32: {  	[sflag:s15] =	ssyncadd.s32 $0xFFFFC000  }
0x33: {  	s25 =	simm.s32 $0x0;
	[bflag:$0x0] =	sbarrier.arrive $0xFFFF  }
0x34: {  	[spmem:s2] =	stream.indirect.scatter.add.f32 [tilespmem:s18], [sflag:$0x1], $0x10, s25, s17, $0xb8;
	[tilespmem:$0xD000] =	vst v63  }
0x35: {  	_ =	swait.ge [sflag:s15], $0x800  }
0x36: {  	s25 =	simm.s32 $0x200;
	[sflag:s15] =	ssyncset.done $0x0  }
.LBB2_4:
0x37: {  	s26 =	sshra.s32 s25, $0x2;
	[sflag:s15] =	ssyncadd.s32 $0xFFFFF800;
	p0 =	sne.s32 s25, $0x9E00  }
0x38: {  	[spmem:s2] =	stream.indirect.scatter.add.f32 [tilespmem:s18], [sflag:$0x1], $0x10, s26, s17, $0xb8;
	[tilespmem:$0xD000] =	vst v63  }
.Ltmp1:
0x39: {  	_ = 	snop;
	(pc) =	sbr.rel @p0 .LBB2_4-.Ltmp1, $4  }
0x3a: {  	_ = 	snop  }
0x3b: {  	s25 =	sadd.s32 $0x200, s25  }
0x3c: {  	_ =	swait.ge [sflag:s15], $0x800  }
0x3d: {  	[sflag:s15] =	ssyncset.done $0x0  }
0x3e: {  	[sflag:s15] =	ssyncadd.s32 $0xFFFFF800  }
0x3f: {  	[bflag:$0x0] =	sbarrier.arrive $0xFFFF  }
0x40: {  	[tilespmem:s16], [sflag:$0x1] =	stream.linear.gather [spmem:s5], $0x4000, $0x38;
	[tilespmem:$0xD000] =	vst v63  }
0x41: {  	_ =	swait.ge [sflag:s15], $0x4000  }
0x42: {  	[sflag:s15] =	ssyncset.done $0x0  }
0x43: {  	[sflag:s15] =	ssyncadd.s32 $0xFFFFC000  }
0x44: {  	[hbm4b:s19+s3] =	stream.linear.scatter [tilespmem:s16], [sflag:$0x1], $0x4000, $0x38;
	[tilespmem:$0xD000] =	vst v63  }
0x45: {  	_ =	swait.ge [sflag:s15], $0x4000  }
0x46: {  	[sflag:s15] =	ssyncset.done $0x0  }
0x47: {  	[sflag:s15] =	ssyncadd.s32 $0xFFFFC000  }
0x48: {  	[tilespmem:s16], [sflag:$0x1] =	stream.linear.gather [spmem:s11], $0x4000, $0x38;
	[tilespmem:$0xD000] =	vst v63  }
0x49: {  	_ =	swait.ge [sflag:s15], $0x4000  }
0x4a: {  	[sflag:s15] =	ssyncset.done $0x0  }
0x4b: {  	[sflag:s15] =	ssyncadd.s32 $0xFFFFC000  }
0x4c: {  	[hbm4b:s20+s3] =	stream.linear.scatter [tilespmem:s16], [sflag:$0x1], $0x4000, $0x38;
	[tilespmem:$0xD000] =	vst v63  }
0x4d: {  	_ =	swait.ge [sflag:s15], $0x4000  }
0x4e: {  	[sflag:s15] =	ssyncset.done $0x0  }
0x4f: {  	[sflag:s15] =	ssyncadd.s32 $0xFFFFC000  }
0x50: {  	[tilespmem:s16], [sflag:$0x1] =	stream.linear.gather [spmem:s12], $0x4000, $0x38;
	[tilespmem:$0xD000] =	vst v63  }
0x51: {  	_ =	swait.ge [sflag:s15], $0x4000  }
0x52: {  	[sflag:s15] =	ssyncset.done $0x0  }
0x53: {  	[sflag:s15] =	ssyncadd.s32 $0xFFFFC000  }
0x54: {  	[hbm4b:s21+s3] =	stream.linear.scatter [tilespmem:s16], [sflag:$0x1], $0x4000, $0x38;
	[tilespmem:$0xD000] =	vst v63  }
0x55: {  	_ =	swait.ge [sflag:s15], $0x4000  }
0x56: {  	[sflag:s15] =	ssyncset.done $0x0  }
0x57: {  	[sflag:s15] =	ssyncadd.s32 $0xFFFFC000  }
0x58: {  	[tilespmem:s16], [sflag:$0x1] =	stream.linear.gather [spmem:s13], $0x4000, $0x38;
	[tilespmem:$0xD000] =	vst v63  }
0x59: {  	_ =	swait.ge [sflag:s15], $0x4000  }
0x5a: {  	[sflag:s15] =	ssyncset.done $0x0  }
0x5b: {  	[sflag:s15] =	ssyncadd.s32 $0xFFFFC000  }
0x5c: {  	[hbm4b:s22+s3] =	stream.linear.scatter [tilespmem:s16], [sflag:$0x1], $0x4000, $0x38;
	[tilespmem:$0xD000] =	vst v63  }
0x5d: {  	_ =	swait.ge [sflag:s15], $0x4000  }
0x5e: {  	[sflag:s15] =	ssyncset.done $0x0  }
0x5f: {  	[sflag:s15] =	ssyncadd.s32 $0xFFFFC000  }
0x60: {  	[tilespmem:s16], [sflag:$0x1] =	stream.linear.gather [spmem:s14], $0x4000, $0x38;
	[tilespmem:$0xD000] =	vst v63  }
0x61: {  	s24 =	sadd.s32 $0x1, s24;
	_ =	swait.ge [sflag:s15], $0x4000  }
0x62: {  	p0 =	sne.s32 s24, s6;
	[sflag:s15] =	ssyncset.done $0x0  }
.Ltmp2:
0x63: {  	[sflag:s15] =	ssyncadd.s32 $0xFFFFC000;
	(pc) =	sbr.rel @p0 .LBB2_1-.Ltmp2, $4  }
0x64: {  	[hbm4b:s23+s3] =	stream.linear.scatter [tilespmem:s16], [sflag:$0x1], $0x4000, $0x38;
	[tilespmem:$0xD000] =	vst v63  }
0x65: {  	_ =	swait.ge [sflag:s15], $0x4000  }
0x66: {  	[sflag:s15] =	ssyncset.done $0x0  }
0x67: {  	[sflag:s15] =	ssyncadd.s32 $0xFFFFC000  }
0x68: {  	_ =	sfence.sel $0x180000  }
0x69: {  	[bflag:$0x0] =	sbarrier.arrive $0xFFFF  }
0x6a: {  	p0 =	sne.s32 s0, $0x0;
	_ =	strace $0x90000047  }
0x6b: {  	s0 =	sadd.s32 @!p0 $0x100000, s1;
	[bflag:$0x2] =	sbarrier.arrive $0xFFFF  }
0x6c: {  	[sflag:s0] =	ssyncadd.tile.s32 @!p0 $0x1;
	_ =	shalt  }
.Lfunc_end2:
_tile_overlayer_lowered:
.L_overlay_start_2:
0x6d: {  	(tag) =	ssettag $0x2  }
0x6e: {  	s0 =	rddreg [dreg:$0x0];
	s2 =	stileid.u32  }
0x6f: {  	s1 =	rddreg [dreg:$0x1];
	p0 =	sne.s32 s2, $0x0  }
0x70: {  	s3 =	rddreg [dreg:$0x2];
	[bflag:$0x3] =	sbarrier.arrive $0xFFFF;
	s2 =	simm.s32 @!p0 $0x1C01  }
0x71: {  	[timem:s3], [sflag:s2] =	dma.local @!p0 [hbm:s0], s1  }
0x72: {  	s0 =	simm.s32 @!p0 $0x1  }
0x73: {  	_ =	swait.ge @!p0 [sflag:s0], s1  }
0x74: {  	s1 =	ssub.s32 @!p0 $0x0, s1;
	[sflag:s0] =	ssyncset.done @!p0 $0x0  }
0x75: {  	[sflag:s0] =	ssyncadd.s32 @!p0 s1  }
0x76: {  	[bflag:$0x3] =	sbarrier.arrive $0xFFFF  }
0x77: {  	_ =	shalt  }

// kernel: kernel.9.cloned.1.call-start
scs
__scs_entry_jumppad:
0x0: {  	(pc) =	sbr.rel $0x88, $3  }
0x1: {  	(tag) =	ssettag $0x0;
	lr =	simm.s32 $0x1  }
0x2: {  	[smem:$0x3F9D] =	sst lr;
	_ =	strace $0xD0000000  }
0x3: {  	_ = 	snop  }
0x4: {  	_ = 	snop  }
0x5: {  	_ = 	snop  }
0x6: {  	_ = 	snop  }
0x7: {  	_ = 	snop  }
__scs_overlays_trampoline_lowered:
0x8: {  	[smem:$0x3FAC] =	sst s0  }
0x9: {  	[smem:$0x3FAD] =	sst s1  }
0xa: {  	[smem:$0x3FAE] =	sst s2  }
0xb: {  	[smem:$0x3FAF] =	sst s3  }
0xc: {  	[smem:$0x3FB0] =	sst s4  }
0xd: {  	[smem:$0x3FB1] =	sst s5  }
0xe: {  	[smem:$0x3FB2] =	sst s6  }
0xf: {  	[smem:$0x3FB3] =	sst s7  }
0x10: {  	[smem:$0x3FB4] =	sst s8  }
0x11: {  	[smem:$0x3FB5] =	sst s9;
	s0 =	simm.s32 @!p0 $0x0  }
0x12: {  	s1 =	sld [smem:$0x3F9B];
	s0 =	simm.s32 @p0 $0x1  }
0x13: {  	[smem:$0x3FB6] =	sst s0;
	s0 =	simm.s32 @!p1 $0x0  }
0x14: {  	s2 =	sld [smem:$0x3F9A];
	s0 =	simm.s32 @p1 $0x1  }
0x15: {  	[smem:$0x3FB7] =	sst s0;
	s0 =	simm.s32 @!p2 $0x0  }
0x16: {  	s3 =	sld [smem:$0x3FDB];
	s0 =	simm.s32 @p2 $0x1  }
0x17: {  	s4 =	simm.s32 $0x1BF5;
	[smem:$0x3FB9] =	sst s0  }
0x18: {  	s0 =	sld [smem:$0x3F9C];
	_ =	swait.ge [sflag:s4], $0x0  }
0x19: {  	s7 =	sld [smem:$0x3F9D]  }
0x1a: {  	s8 =	sadd.s32 $0xFFFFE003, lr  }
0x1b: {  	s9 =	sadd.s32 $0xFFFFFEF7, lr;
	s5 =	simm.s32 $0xFFFFFFFF;
	p2 =	slt.u32 s8, $0xFFFFF086  }
0x1c: {  	p1 =	slt.u32 s9, $0xF7A;
	s5 =	simm.s32 @!p2 $0x0  }
0x1d: {  	s5 =	simm.s32 @p1 $0x1;
	p0 =	seq.s32 s7, s2  }
0x1e: {  	s7 =	smul.u32 @!p0 $0xF7A, s2;
	p2 =	seq.s32 @!p0 s5, $0x0  }
0x1f: {  	s9 =	smul.u32 $0xF7A, s1;
	s8 =	simm.s32 @!p0 $0x1BF5;
	p2 =	por !p2, p0  }
0x20: {  	[sflag:s8] =	ssyncset.s32 @!p0 $0xFFFFF086;
	s6 =	sadd.s32 @!p0 s3, s7;
	s7 =	simm.s32 @!p0 $0x108  }
0x21: {  	s3 =	sadd.s32 s3, s9;
	s6 =	sadd.s32 @!p0 $0x88, s6;
	s7 =	simm.s32 @p2 $0x1082  }
0x22: {  	[simem:s7], [sflag:s8] =	dma.local @!p0 [hbm:s6], $0xF7A  }
0x23: {  	s9 =	sor.u32 $0xD0000000, s2;
	s6 =	simm.s32 $0x108;
	_ =	swait.ge @!p0 [sflag:s8], $0x0  }
0x24: {  	s3 =	sadd.s32 $0x88, s3;
	s6 =	simm.s32 @!p1 $0x1082;
	[sflag:s4] =	ssyncset.s32 $0xFFFFF086  }
0x25: {  	[simem:s6], [sflag:s4] =	dma.local [hbm:s3], $0xF7A  }
0x26: {  	[smem:$0x3F9D] =	sst s1;
	(tag) =	ssettag s2;
	_ =	strace s9  }
0x27: {  	s1 =	sld [smem:$0x3FAD]  }
0x28: {  	s2 =	sld [smem:$0x3FAE]  }
0x29: {  	s4 =	sld [smem:$0x3FB0]  }
0x2a: {  	p0 =	seq.s32 s5, $0x0;
	s5 =	sld [smem:$0x3FB1]  }
0x2b: {  	s6 =	sld [smem:$0x3FB2]  }
0x2c: {  	s7 =	sld [smem:$0x3FB3]  }
0x2d: {  	s3 =	simm.s32 $0x108;
	s8 =	sld [smem:$0x3FB4]  }
0x2e: {  	s3 =	simm.s32 @!p0 $0x1082;
	s9 =	sld [smem:$0x3FB5]  }
0x2f: {  	lr =	sadd.s32 s0, s3;
	s0 =	sld [smem:$0x3FAC]  }
0x30: {  	s3 =	sld [smem:$0x3FAF]  }
0x31: {  	[smem:$0x3FB8] =	sst s10  }
0x32: {  	s10 =	sld [smem:$0x3FB6];
	_ =	sdelay $0x3  }
0x33: {  	p0 =	seq.s32 s10, $0x1;
	s10 =	sld [smem:$0x3FB8];
	_ =	sdelay $0x3  }
0x34: {  	[smem:$0x3FB8] =	sst s10  }
0x35: {  	s10 =	sld [smem:$0x3FB7];
	_ =	sdelay $0x3  }
0x36: {  	p1 =	seq.s32 s10, $0x1;
	s10 =	sld [smem:$0x3FB8];
	_ =	sdelay $0x3  }
0x37: {  	[smem:$0x3FB8] =	sst s10  }
0x38: {  	s10 =	sld [smem:$0x3FB9]  }
0x39: {  	_ = 	snop;
	(pc) =	sbr.ind lr, $3  }
0x3a: {  	_ = 	snop  }
0x3b: {  	_ = 	snop  }
0x3c: {  	p2 =	seq.s32 s10, $0x1;
	s10 =	sld [smem:$0x3FB8]  }
0x3d: {  	_ =	shalt  }
0x3e: {  	_ =	shalt  }
0x3f: {  	_ =	shalt  }
0x40: {  	_ =	shalt  }
0x41: {  	_ =	shalt  }
0x42: {  	_ =	shalt  }
0x43: {  	_ =	shalt  }
0x44: {  	_ =	shalt  }
0x45: {  	_ =	shalt  }
0x46: {  	_ =	shalt  }
0x47: {  	_ =	shalt  }
0x48: {  	_ =	shalt  }
0x49: {  	_ =	shalt  }
0x4a: {  	_ =	shalt  }
0x4b: {  	_ =	shalt  }
0x4c: {  	_ =	shalt  }
0x4d: {  	_ =	shalt  }
0x4e: {  	_ =	shalt  }
0x4f: {  	_ =	shalt  }
0x50: {  	_ =	shalt  }
0x51: {  	_ =	shalt  }
0x52: {  	_ =	shalt  }
0x53: {  	_ =	shalt  }
0x54: {  	_ =	shalt  }
0x55: {  	_ =	shalt  }
0x56: {  	_ =	shalt  }
0x57: {  	_ =	shalt  }
0x58: {  	_ =	shalt  }
0x59: {  	_ =	shalt  }
0x5a: {  	_ =	shalt  }
0x5b: {  	_ =	shalt  }
0x5c: {  	_ =	shalt  }
0x5d: {  	_ =	shalt  }
0x5e: {  	_ =	shalt  }
0x5f: {  	_ =	shalt  }
0x60: {  	_ =	shalt  }
0x61: {  	_ =	shalt  }
0x62: {  	_ =	shalt  }
0x63: {  	_ =	shalt  }
0x64: {  	_ =	shalt  }
0x65: {  	_ =	shalt  }
0x66: {  	_ =	shalt  }
0x67: {  	_ =	shalt  }
0x68: {  	_ =	shalt  }
0x69: {  	_ =	shalt  }
0x6a: {  	_ =	shalt  }
0x6b: {  	_ =	shalt  }
0x6c: {  	_ =	shalt  }
0x6d: {  	_ =	shalt  }
0x6e: {  	_ =	shalt  }
0x6f: {  	_ =	shalt  }
0x70: {  	_ =	shalt  }
0x71: {  	_ =	shalt  }
0x72: {  	_ =	shalt  }
0x73: {  	_ =	shalt  }
0x74: {  	_ =	shalt  }
0x75: {  	_ =	shalt  }
0x76: {  	_ =	shalt  }
0x77: {  	_ =	shalt  }
0x78: {  	_ =	shalt  }
0x79: {  	_ =	shalt  }
0x7a: {  	_ =	shalt  }
0x7b: {  	_ =	shalt  }
0x7c: {  	_ =	shalt  }
0x7d: {  	_ =	shalt  }
0x7e: {  	_ =	shalt  }
0x7f: {  	_ =	shalt  }
0x80: {  	_ =	shalt  }
0x81: {  	_ =	shalt  }
0x82: {  	_ =	shalt  }
0x83: {  	_ =	shalt  }
0x84: {  	_ =	shalt  }
0x85: {  	_ =	shalt  }
0x86: {  	_ =	shalt  }
0x87: {  	_ =	shalt  }
.Lfunc_end0:
.L_simem_size_0:
called_computation.1_lowered:
.L_overlay_start_0:
0x88: {  	s2 =	sld [smem:$0x3FD9]  }
0x89: {  	s3 =	sld [smem:$0x3FFE];
	_ =	sdelay $0x1  }
0x8a: {  	s1 =	srdreg.scid  }
0x8b: {  	s0 =	sand.u32 $0x1, s1  }
0x8c: {  	s17 =	sshll.u32 s0, $0xA;
	s2 =	sadd.s32 s3, s2  }
0x8d: {  	s2 =	sadd.s32 s2, s17  }
0x8e: {  	[smem:$0x3FC4] =	sst s2  }
0x8f: {  	_ = 	snop  }
0x90: {  	s2 =	sld [smem:$0x3FD0];
	(tm) =	ssettm $0x1  }
0x91: {  	s18 =	sld [smem:$0x3FFB];
	_ =	sdelay $0x3  }
0x92: {  	_ =	strace s18  }
0x93: {  	s3 =	sld [smem:$0x3FFC];
	_ =	sdelay $0x3  }
0x94: {  	_ =	strace s3  }
0x95: {  	s3 =	sld [smem:$0x3FFD];
	_ =	sdelay $0x3  }
0x96: {  	_ =	strace s3  }
0x97: {  	_ =	strace $0x8FFFFFFF  }
0x98: {  	s19 =	sld [smem:$0x3FDB];
	_ =	sdelay $0x1  }
0x99: {  	s4 =	simm.s32 $_scs_section_size  }
0x9a: {  	s5 =	simm.s32 $_size__tile_overlayer_lowered;
	s6 =	simm.s32 $_tile_overlayer_lowered  }
0x9b: {  	s22 =	simm.s32 $0x1BFF;
	s21 =	sshll.u32 s6, $0x1;
	s3 =	sadd.s32 s4, s19  }
0x9c: {  	s7 =	simm.s32 $0x0;
	s20 =	sshll.u32 s5, $0x1;
	s5 =	sadd.s32 s21, s3  }
0x9d: {  	[timem:s7], [sflag:s22] =	dma.local [hbm:s5], s20  }
0x9e: {  	_ =	swait.ge [sflag:s22], s20  }
0x9f: {  	s4 =	ssub.s32 $0x0, s20;
	[sflag:s22] =	ssyncset.done $0x0  }
0xa0: {  	[sflag:s22] =	ssyncadd.s32 s4;
	_ =	sdelay $0x1  }
0xa1: {  	s23 =	simm.s32 $0x1B8B  }
0xa2: {  	_ =	swait.ge [sflag:s23], $0x1  }
0xa3: {  	[sflag:s23] =	ssyncset.done $0x0  }
0xa4: {  	s25 =	simm.s32 $0x1B8E;
	s24 =	sld [smem:$0x3FFE];
	[sflag:s23] =	ssyncadd.s32 $0xFFFFFFFF  }
0xa5: {  	s26 =	simm.s32 $execute0_lowered;
	[smem:$0x3FD2] =	sst s25  }
0xa6: {  	s5 =	sshll.u32 s26, $0x1;
	_ =	strace $0x80000049;
	[dreg:$0x1] =	wrdreg $0xFFFFFFFF  }
0xa7: {  	s28 =	simm.s32 $_size_execute0_lowered;
	s3 =	sadd.s32 s3, s5;
	[dreg:$0x0] =	wrdreg $0x0  }
0xa8: {  	s5 =	sshll.u32 s28, $0x1;
	[dreg:$0x2] =	wrdreg s3  }
0xa9: {  	[dreg:$0x3] =	wrdreg s5  }
0xaa: {  	[dreg:$0x4] =	wrdreg $0xC0  }
0xab: {  	_ =	task [dreg:s7], $0x5FFFF  }
0xac: {  	[dreg:$0x1] =	wrdreg $0xFFFFFFFF  }
0xad: {  	[dreg:$0x0] =	wrdreg $0x60  }
0xae: {  	[dreg:$0x2] =	wrdreg s2  }
0xaf: {  	[dreg:$0x3] =	wrdreg s24  }
0xb0: {  	[dreg:$0x4] =	wrdreg $0xA8000  }
0xb1: {  	[dreg:$0x5] =	wrdreg $0x9  }
0xb2: {  	_ =	task.clear_ibuf [dreg:s7], $0x6FFFF;
	_ =	strace $0x90000049  }
0xb3: {  	s29 =	simm.s32 $0x9;
	_ =	strace $0x8000004B  }
0xb4: {  	_ =	swait.ge [sflag:s29], $0x1  }
0xb5: {  	[sflag:s29] =	ssyncadd.s32 $0xFFFFFFFF  }
0xb6: {  	_ =	strace $0x9000004B  }
0xb7: {  	_ =	sfence  }
0xb8: {  	s30 =	sld [smem:$0x0];
	_ =	sdelay $0x2  }
0xb9: {  	s31 =	sshll.u32 s1, $0xD;
	s1 =	sshrl.u32 s1, $0x2  }
0xba: {  	s3 =	sand.u32 $0x4000, s31;
	s1 =	sadd.s32 s1, s30  }
0xbb: {  	s0 =	sor.u32 s3, s0;
	s1 =	sshll.u32 s1, $0x11  }
0xbc: {  	s0 =	sor.u32 s1, s0  }
0xbd: {  	s0 =	sadd.s32 $0x8F2B, s0  }
0xbe: {  	[sflag:s0] =	ssyncadd.remote.s32 $0x1  }
0xbf: {  	_ =	sfence.sel $0xFFFF  }
0xc0: {  	[dreg:$0x0] =	wrdreg $0xFFFFFFFF;
	(pc) =	sbr.abs _section_cstart, $3  }
0xc1: {  	[dreg:$0x1] =	wrdreg $0xFFFFFFFF  }
0xc2: {  	_ =	task.clear_ibuf [dreg:s7], $0x2FFFF;
	_ =	strace $0x9FFFFFFF  }
0xc3: {  	(tm) =	ssettm $0x7FFFFFFF  }
tec
execute0_lowered:
.L_overlay_start_1:
0x0: {  	(tag) =	ssettag $0x1  }
0x1: {  	s0 =	rddreg [dreg:$0x0]  }
0x2: {  	s1 =	rddreg [dreg:$0x1];
	s3 =	srdreg.scid  }
0x3: {  	s11 =	stileid.u32;
	s2 =	rddreg [dreg:$0x2];
	s28 =	simm.s32 $0x1  }
0x4: {  	s29 =	simm.s32 $0x2;
	s30 =	simm.s32 $0x1380;
	s31 =	simm.s32 $0x2700  }
0x5: {  	s4 =	sand.u32 $0x1, s3;
	s5 =	sshll.u32 s11, $0x1;
	s15 =	smul.u32 $0x50000, s11  }
0x6: {  	s3 =	simm.s32 $0x0;
	s17 =	smul.u32 $0x280, s11;
	s5 =	sor.u32 s4, s5  }
0x7: {  	[smem:$0x7FF] =	sst s3;
	s8 =	smul.u32 $0x28000, s4;
	s9 =	ssub.s32 $0x2, s4  }
0x8: {  	s4 =	sadd.s32 $0xBA00, s1;
	s6 =	smul.u32 $0x500, s5;
	_ =	strace $0x8000004A  }
0x9: {  	s10 =	sshrl.u32 s9, $0x1;
	s5 =	sshrl.u32 s15, $0x2;
	s21 =	sadd.s32 $0x80, s17  }
0xa: {  	s24 =	sadd.s32 $0x100, s17;
	s26 =	sadd.s32 $0x180, s17;
	s16 =	ssub.s32 s9, s10  }
0xb: {  	s5 =	sadd.s32 s5, s2;
	s23 =	sshll.u32 s21, $0x7;
	s25 =	sshll.u32 s24, $0x7  }
0xc: {  	s10 =	sshll.u32 s24, $0x4;
	s15 =	sshll.u32 s26, $0x7;
	s9 =	sshll.u32 s26, $0x4  }
0xd: {  	s26 =	simm.s32 $0x6800;
	s7 =	sadd.s32 s6, s1;
	s1 =	sadd.s32 s8, s1  }
0xe: {  	s6 =	sadd.s32 s0, s6;
	s8 =	smax.u32 s16, $0x1;
	s18 =	sadd.s32 $0x4000, s5  }
0xf: {  	s19 =	sadd.s32 $0x8000, s5;
	s20 =	sadd.s32 $0xC000, s5;
	s22 =	sadd.s32 $0x10000, s5  }
0x10: {  	s13 =	sadd.s32 s23, s2;
	s14 =	sadd.s32 s25, s2;
	[dreg:$0x4] =	wrdreg s8  }
0x11: {  	s0 =	sadd.s32 $0x200, s17;
	s15 =	sadd.s32 s15, s2;
	[dreg:$0x5] =	wrdreg s18  }
0x12: {  	s17 =	simm.s32 $0x2800;
	s25 =	simm.s32 $0x80;
	[dreg:$0x6] =	wrdreg s19  }
0x13: {  	s7 =	sadd.s32 $0x1A00, s7;
	s1 =	sadd.s32 $0x5BA00, s1;
	[dreg:$0x7] =	wrdreg s20  }
0x14: {  	[dreg:$0x8] =	wrdreg s22;
	s20 =	smul.u32 $0x2800, s11;
	s8 =	sshll.u32 s21, $0x4  }
0x15: {  	s16 =	sshll.u32 s0, $0x7;
	s0 =	sshll.u32 s0, $0x4;
	s18 =	simm.s32 $0x3  }
0x16: {  	s19 =	simm.s32 $0x1400;
	s16 =	sadd.s32 s16, s2;
	s21 =	sadd.s32 s8, s1  }
0x17: {  	s22 =	sadd.s32 s10, s1;
	s23 =	sadd.s32 s9, s1;
	s24 =	sadd.s32 s0, s1  }
0x18: {  	v0 =	vimm.f32 $0.0e+00;
	s0 =	simm.s32 $0x0;
	s20 =	sadd.s32 s20, s1;
	s1 =	simm.s32 $0x2780  }
.LBB2_1:
0x19: {  	s8 =	sand.u32 $0xFE00, s3  }
0x1a: {  	s9 =	sand.u32 $0x70, s3;
	s10 =	sshrl.u32 s8, $0x2  }
0x1b: {  	s8 =	simm.s32 $0x40;
	s10 =	sor.u32 s9, s10;
	s9 =	simm.s32 $0x0  }
.LBB2_2:
0x1c: {  	p0 =	sne.s32 s8, $0xFFC0  }
0x1d: {  	[tilespmem:s10+$0x2800] =	vst v0;
	s9 =	sadd.s32 $0x10, s9;
	s10 =	smov.u32 s8;
	s8 =	sadd.s32 $0x40, s8  }
.Ltmp0:
0x1e: {  	(pc) =	sbr.rel @p0 .LBB2_2-.Ltmp0, $4  }
0x1f: {  	_ = 	snop  }
0x20: {  	s10 =	sand.u32 $0xFE00, s10  }
0x21: {  	s11 =	sand.u32 $0x70, s9;
	s10 =	sshrl.u32 s10, $0x2  }
0x22: {  	s10 =	sor.u32 s11, s10  }
0x23: {  	[tilespmem:s10+$0x2800] =	vst v0  }
0x24: {  	[spmem:s5] =	stream.linear.scatter [tilespmem:s17], [sflag:$0x3], $0x4000, $0x38;
	[tilespmem:$0x1E800] =	vst v63  }
0x25: {  	_ =	swait.ge [sflag:s18], $0x4000  }
0x26: {  	[sflag:s18] =	ssyncset.done $0x0  }
0x27: {  	s8 =	rddreg [dreg:$0x5];
	[sflag:s18] =	ssyncadd.s32 $0xFFFFC000  }
0x28: {  	[spmem:s8] =	stream.linear.scatter [tilespmem:s17], [sflag:$0x3], $0x4000, $0x38;
	[tilespmem:$0x1E800] =	vst v63  }
0x29: {  	_ =	swait.ge [sflag:s18], $0x4000  }
0x2a: {  	[sflag:s18] =	ssyncset.done $0x0  }
0x2b: {  	s9 =	rddreg [dreg:$0x6];
	[sflag:s18] =	ssyncadd.s32 $0xFFFFC000  }
0x2c: {  	[spmem:s9] =	stream.linear.scatter [tilespmem:s17], [sflag:$0x3], $0x4000, $0x38;
	[tilespmem:$0x1E800] =	vst v63  }
0x2d: {  	_ =	swait.ge [sflag:s18], $0x4000  }
0x2e: {  	[sflag:s18] =	ssyncset.done $0x0  }
0x2f: {  	s10 =	rddreg [dreg:$0x7];
	[sflag:s18] =	ssyncadd.s32 $0xFFFFC000  }
0x30: {  	[spmem:s10] =	stream.linear.scatter [tilespmem:s17], [sflag:$0x3], $0x4000, $0x38;
	[tilespmem:$0x1E800] =	vst v63  }
0x31: {  	_ =	swait.ge [sflag:s18], $0x4000  }
0x32: {  	[sflag:s18] =	ssyncset.done $0x0  }
0x33: {  	s11 =	rddreg [dreg:$0x8];
	[sflag:s18] =	ssyncadd.s32 $0xFFFFC000  }
0x34: {  	[spmem:s11] =	stream.linear.scatter [tilespmem:s17], [sflag:$0x3], $0x4000, $0x38;
	[tilespmem:$0x1E800] =	vst v63  }
0x35: {  	_ =	swait.ge [sflag:s18], $0x4000  }
0x36: {  	[sflag:s18] =	ssyncset.done $0x0  }
0x37: {  	[sflag:s18] =	ssyncadd.s32 $0xFFFFC000  }
0x38: {  	s12 =	simm.s32 $0x0;
	[bflag:$0x0] =	sbarrier.arrive $0xFFFF  }
0x39: {  	[tilespmem:s12], [sflag:$0x3] =	stream.linear.gather [hbm4b:s6+s12], $0x1400, $0x38;
	[tilespmem:$0x1E800] =	vst v63  }
0x3a: {  	_ =	swait.ge [sflag:s18], $0x1400  }
0x3b: {  	[sflag:s18] =	ssyncset.done $0x0  }
0x3c: {  	[sflag:s18] =	ssyncadd.s32 $0xFFFFEC00  }
0x3d: {  	[tilespmem:s19], [sflag:$0x3] =	stream.linear.gather [hbm4b:s7+s12], $0x1400, $0x38;
	[tilespmem:$0x1E800] =	vst v63  }
0x3e: {  	_ =	swait.ge [sflag:s18], $0x1400  }
0x3f: {  	[sflag:s18] =	ssyncset.done $0x0  }
0x40: {  	[sflag:s18] =	ssyncadd.s32 $0xFFFFEC00  }
0x41: {  	[tilespmem:s17], [sflag:$0x1] =	stream.indirect.gather [hbm4b:s4+s25], $0x80, s12, s25, $0xb8;
	[tilespmem:$0x1E800] =	vst v63  }
0x42: {  	s9 =	simm.s32 $0x80  }
0x43: {  	[tilespmem:s26], [sflag:$0x2] =	stream.indirect.gather [hbm4b:s4+s25], $0x80, s9, s25, $0xb8;
	[tilespmem:$0x1E800] =	vst v63  }
0x44: {  	_ =	swait.ge [sflag:s28], $0x4000  }
0x45: {  	[sflag:s28] =	ssyncset.done $0x0  }
0x46: {  	s10 =	simm.s32 $0x1400;
	[sflag:s28] =	ssyncadd.s32 $0xFFFFC000  }
0x47: {  	[spmem:s2] =	stream.indirect.scatter.add.f32 [tilespmem:s17], [sflag:$0x3], $0x80, s10, s25, $0xb8;
	[tilespmem:$0x1E800] =	vst v63  }
0x48: {  	_ =	swait.ge [sflag:s18], $0x4000  }
0x49: {  	[sflag:s18] =	ssyncset.done $0x0  }
0x4a: {  	s11 =	simm.s32 $0x100;
	[sflag:s18] =	ssyncadd.s32 $0xFFFFC000  }
0x4b: {  	[tilespmem:s17], [sflag:$0x1] =	stream.indirect.gather [hbm4b:s4+s25], $0x80, s11, s25, $0xb8;
	[tilespmem:$0x1E800] =	vst v63  }
0x4c: {  	_ =	swait.ge [sflag:s29], $0x4000  }
0x4d: {  	[sflag:s29] =	ssyncset.done $0x0  }
0x4e: {  	s12 =	simm.s32 $0x1480;
	[sflag:s29] =	ssyncadd.s32 $0xFFFFC000  }
0x4f: {  	[spmem:s2] =	stream.indirect.scatter.add.f32 [tilespmem:s26], [sflag:$0x3], $0x80, s12, s25, $0xb8;
	[tilespmem:$0x1E800] =	vst v63  }
0x50: {  	_ =	swait.ge [sflag:s18], $0x4000  }
0x51: {  	s8 =	simm.s32 $0x100;
	s9 =	simm.s32 $0x800;
	[sflag:s18] =	ssyncset.done $0x0  }
.LBB2_4:
0x52: {  	s10 =	sadd.s32 $0x80, s8  }
0x53: {  	[sflag:s18] =	ssyncadd.s32 $0xFFFFC000;
	s11 =	smov.u32 s9;
	s12 =	sadd.s32 $0x400, s9  }
0x54: {  	[tilespmem:s26], [sflag:$0x2] =	stream.indirect.gather [hbm4b:s4+s25], $0x80, s10, s25, $0xb8;
	[tilespmem:$0x1E800] =	vst v63  }
0x55: {  	p0 =	sne.s32 s9, $0x4800;
	_ =	swait.ge [sflag:s28], $0x4000  }
0x56: {  	[sflag:s28] =	ssyncset.done $0x0  }
0x57: {  	s9 =	sadd.s32 $0x1400, s8;
	[sflag:s28] =	ssyncadd.s32 $0xFFFFC000  }
0x58: {  	[spmem:s2] =	stream.indirect.scatter.add.f32 [tilespmem:s17], [sflag:$0x3], $0x80, s9, s25, $0xb8;
	[tilespmem:$0x1E800] =	vst v63  }
0x59: {  	_ =	swait.ge [sflag:s18], $0x4000  }
0x5a: {  	[sflag:s18] =	ssyncset.done $0x0  }
0x5b: {  	s9 =	sadd.s32 $0x100, s8;
	[sflag:s18] =	ssyncadd.s32 $0xFFFFC000  }
0x5c: {  	[tilespmem:s17], [sflag:$0x1] =	stream.indirect.gather [hbm4b:s4+s25], $0x80, s9, s25, $0xb8;
	[tilespmem:$0x1E800] =	vst v63  }
0x5d: {  	_ =	swait.ge [sflag:s29], $0x4000  }
.Ltmp1:
0x5e: {  	[sflag:s29] =	ssyncset.done $0x0;
	(pc) =	sbr.rel @p0 .LBB2_4-.Ltmp1, $4  }
0x5f: {  	s8 =	sadd.s32 $0x1480, s8;
	[sflag:s29] =	ssyncadd.s32 $0xFFFFC000  }
0x60: {  	[spmem:s2] =	stream.indirect.scatter.add.f32 [tilespmem:s26], [sflag:$0x3], $0x80, s8, s25, $0xb8;
	[tilespmem:$0x1E800] =	vst v63  }
0x61: {  	_ =	swait.ge [sflag:s18], $0x4000  }
0x62: {  	s9 =	smov.u32 s12;
	s8 =	sshra.s32 s11, $0x2;
	[sflag:s18] =	ssyncset.done $0x0  }
0x63: {  	s9 =	sadd.s32 $0x80, s8;
	[sflag:s18] =	ssyncadd.s32 $0xFFFFC000  }
0x64: {  	[tilespmem:s26], [sflag:$0x2] =	stream.indirect.gather [hbm4b:s4+s25], $0x80, s9, s25, $0xb8;
	[tilespmem:$0x1E800] =	vst v63  }
0x65: {  	_ =	swait.ge [sflag:s28], $0x4000  }
0x66: {  	[sflag:s28] =	ssyncset.done $0x0  }
0x67: {  	s11 =	sadd.s32 $0x1400, s8;
	[sflag:s28] =	ssyncadd.s32 $0xFFFFC000  }
0x68: {  	[spmem:s2] =	stream.indirect.scatter.add.f32 [tilespmem:s17], [sflag:$0x3], $0x80, s11, s25, $0xb8;
	[tilespmem:$0x1E800] =	vst v63  }
0x69: {  	_ =	swait.ge [sflag:s18], $0x4000  }
0x6a: {  	[sflag:s18] =	ssyncset.done $0x0  }
0x6b: {  	s12 =	sadd.s32 $0x100, s8;
	[sflag:s18] =	ssyncadd.s32 $0xFFFFC000  }
0x6c: {  	[tilespmem:s17], [sflag:$0x1] =	stream.indirect.gather [hbm4b:s4+s25], $0x80, s12, s25, $0xb8;
	[tilespmem:$0x1E800] =	vst v63  }
0x6d: {  	_ =	swait.ge [sflag:s29], $0x4000  }
0x6e: {  	[sflag:s29] =	ssyncset.done $0x0  }
0x6f: {  	s9 =	sadd.s32 $0x1480, s8;
	[sflag:s29] =	ssyncadd.s32 $0xFFFFC000  }
0x70: {  	[spmem:s2] =	stream.indirect.scatter.add.f32 [tilespmem:s26], [sflag:$0x3], $0x80, s9, s25, $0xb8;
	[tilespmem:$0x1E800] =	vst v63  }
0x71: {  	_ =	swait.ge [sflag:s18], $0x4000  }
0x72: {  	[sflag:s18] =	ssyncset.done $0x0  }
0x73: {  	[sflag:s18] =	ssyncadd.s32 $0xFFFFC000  }
0x74: {  	[tilespmem:s26], [sflag:$0x2] =	stream.indirect.gather [hbm4b:s4+s25], $0x80, s30, s25, $0xb8;
	[tilespmem:$0x1E800] =	vst v63  }
0x75: {  	_ =	swait.ge [sflag:s28], $0x4000  }
0x76: {  	[sflag:s28] =	ssyncset.done $0x0  }
0x77: {  	[sflag:s28] =	ssyncadd.s32 $0xFFFFC000  }
0x78: {  	[spmem:s2] =	stream.indirect.scatter.add.f32 [tilespmem:s17], [sflag:$0x3], $0x80, s31, s25, $0xb8;
	[tilespmem:$0x1E800] =	vst v63  }
0x79: {  	_ =	swait.ge [sflag:s18], $0x4000  }
0x7a: {  	[sflag:s18] =	ssyncset.done $0x0  }
0x7b: {  	[sflag:s18] =	ssyncadd.s32 $0xFFFFC000  }
0x7c: {  	_ =	swait.ge [sflag:s29], $0x4000  }
0x7d: {  	[sflag:s29] =	ssyncset.done $0x0  }
0x7e: {  	[sflag:s29] =	ssyncadd.s32 $0xFFFFC000  }
0x7f: {  	[spmem:s2] =	stream.indirect.scatter.add.f32 [tilespmem:s26], [sflag:$0x3], $0x80, s1, s25, $0xb8;
	[tilespmem:$0x1E800] =	vst v63  }
0x80: {  	_ =	swait.ge [sflag:s18], $0x4000  }
0x81: {  	[sflag:s18] =	ssyncset.done $0x0  }
0x82: {  	s10 =	sadd.s32 $0x280, s6;
	s11 =	simm.s32 $0x0;
	[sflag:s18] =	ssyncadd.s32 $0xFFFFC000  }
0x83: {  	[tilespmem:s11], [sflag:$0x3] =	stream.linear.gather [hbm4b:s10+s11], $0x1400, $0x38;
	[tilespmem:$0x1E800] =	vst v63  }
0x84: {  	_ =	swait.ge [sflag:s18], $0x1400  }
0x85: {  	[sflag:s18] =	ssyncset.done $0x0  }
0x86: {  	s12 =	sadd.s32 $0x280, s7;
	[sflag:s18] =	ssyncadd.s32 $0xFFFFEC00  }
0x87: {  	[tilespmem:s19], [sflag:$0x3] =	stream.linear.gather [hbm4b:s12+s11], $0x1400, $0x38;
	[tilespmem:$0x1E800] =	vst v63  }
0x88: {  	_ =	swait.ge [sflag:s18], $0x1400  }
0x89: {  	[sflag:s18] =	ssyncset.done $0x0  }
0x8a: {  	[sflag:s18] =	ssyncadd.s32 $0xFFFFEC00  }
0x8b: {  	[tilespmem:s17], [sflag:$0x1] =	stream.indirect.gather [hbm4b:s4+s25], $0x80, s11, s25, $0xb8;
	[tilespmem:$0x1E800] =	vst v63  }
0x8c: {  	s9 =	simm.s32 $0x80  }
0x8d: {  	[tilespmem:s26], [sflag:$0x2] =	stream.indirect.gather [hbm4b:s4+s25], $0x80, s9, s25, $0xb8;
	[tilespmem:$0x1E800] =	vst v63  }
0x8e: {  	_ =	swait.ge [sflag:s28], $0x4000  }
0x8f: {  	[sflag:s28] =	ssyncset.done $0x0  }
0x90: {  	s10 =	simm.s32 $0x1400;
	[sflag:s28] =	ssyncadd.s32 $0xFFFFC000  }
0x91: {  	[spmem:s2] =	stream.indirect.scatter.add.f32 [tilespmem:s17], [sflag:$0x3], $0x80, s10, s25, $0xb8;
	[tilespmem:$0x1E800] =	vst v63  }
0x92: {  	_ =	swait.ge [sflag:s18], $0x4000  }
0x93: {  	[sflag:s18] =	ssyncset.done $0x0  }
0x94: {  	s11 =	simm.s32 $0x100;
	[sflag:s18] =	ssyncadd.s32 $0xFFFFC000  }
0x95: {  	[tilespmem:s17], [sflag:$0x1] =	stream.indirect.gather [hbm4b:s4+s25], $0x80, s11, s25, $0xb8;
	[tilespmem:$0x1E800] =	vst v63  }
0x96: {  	_ =	swait.ge [sflag:s29], $0x4000  }
0x97: {  	[sflag:s29] =	ssyncset.done $0x0  }
0x98: {  	s12 =	simm.s32 $0x1480;
	[sflag:s29] =	ssyncadd.s32 $0xFFFFC000  }
0x99: {  	[spmem:s2] =	stream.indirect.scatter.add.f32 [tilespmem:s26], [sflag:$0x3], $0x80, s12, s25, $0xb8;
	[tilespmem:$0x1E800] =	vst v63  }
0x9a: {  	_ =	swait.ge [sflag:s18], $0x4000  }
0x9b: {  	s8 =	simm.s32 $0x100;
	s9 =	simm.s32 $0x800;
	[sflag:s18] =	ssyncset.done $0x0  }
.LBB2_6:
0x9c: {  	s10 =	sadd.s32 $0x80, s8  }
0x9d: {  	[sflag:s18] =	ssyncadd.s32 $0xFFFFC000;
	s11 =	smov.u32 s9;
	s12 =	sadd.s32 $0x400, s9  }
0x9e: {  	[tilespmem:s26], [sflag:$0x2] =	stream.indirect.gather [hbm4b:s4+s25], $0x80, s10, s25, $0xb8;
	[tilespmem:$0x1E800] =	vst v63  }
0x9f: {  	p0 =	sne.s32 s9, $0x4800;
	_ =	swait.ge [sflag:s28], $0x4000  }
0xa0: {  	[sflag:s28] =	ssyncset.done $0x0  }
0xa1: {  	s9 =	sadd.s32 $0x1400, s8;
	[sflag:s28] =	ssyncadd.s32 $0xFFFFC000  }
0xa2: {  	[spmem:s2] =	stream.indirect.scatter.add.f32 [tilespmem:s17], [sflag:$0x3], $0x80, s9, s25, $0xb8;
	[tilespmem:$0x1E800] =	vst v63  }
0xa3: {  	_ =	swait.ge [sflag:s18], $0x4000  }
0xa4: {  	[sflag:s18] =	ssyncset.done $0x0  }
0xa5: {  	s9 =	sadd.s32 $0x100, s8;
	[sflag:s18] =	ssyncadd.s32 $0xFFFFC000  }
0xa6: {  	[tilespmem:s17], [sflag:$0x1] =	stream.indirect.gather [hbm4b:s4+s25], $0x80, s9, s25, $0xb8;
	[tilespmem:$0x1E800] =	vst v63  }
0xa7: {  	_ =	swait.ge [sflag:s29], $0x4000  }
.Ltmp2:
0xa8: {  	[sflag:s29] =	ssyncset.done $0x0;
	(pc) =	sbr.rel @p0 .LBB2_6-.Ltmp2, $4  }
0xa9: {  	s8 =	sadd.s32 $0x1480, s8;
	[sflag:s29] =	ssyncadd.s32 $0xFFFFC000  }
0xaa: {  	[spmem:s2] =	stream.indirect.scatter.add.f32 [tilespmem:s26], [sflag:$0x3], $0x80, s8, s25, $0xb8;
	[tilespmem:$0x1E800] =	vst v63  }
0xab: {  	_ =	swait.ge [sflag:s18], $0x4000  }
0xac: {  	s9 =	smov.u32 s12;
	s8 =	sshra.s32 s11, $0x2;
	[sflag:s18] =	ssyncset.done $0x0  }
0xad: {  	s9 =	sadd.s32 $0x80, s8;
	[sflag:s18] =	ssyncadd.s32 $0xFFFFC000  }
0xae: {  	[tilespmem:s26], [sflag:$0x2] =	stream.indirect.gather [hbm4b:s4+s25], $0x80, s9, s25, $0xb8;
	[tilespmem:$0x1E800] =	vst v63  }
0xaf: {  	_ =	swait.ge [sflag:s28], $0x4000  }
0xb0: {  	[sflag:s28] =	ssyncset.done $0x0  }
0xb1: {  	s12 =	sadd.s32 $0x1400, s8;
	[sflag:s28] =	ssyncadd.s32 $0xFFFFC000  }
0xb2: {  	[spmem:s2] =	stream.indirect.scatter.add.f32 [tilespmem:s17], [sflag:$0x3], $0x80, s12, s25, $0xb8;
	[tilespmem:$0x1E800] =	vst v63  }
0xb3: {  	_ =	swait.ge [sflag:s18], $0x4000  }
0xb4: {  	[sflag:s18] =	ssyncset.done $0x0  }
0xb5: {  	s10 =	sadd.s32 $0x100, s8;
	[sflag:s18] =	ssyncadd.s32 $0xFFFFC000  }
0xb6: {  	[tilespmem:s17], [sflag:$0x1] =	stream.indirect.gather [hbm4b:s4+s25], $0x80, s10, s25, $0xb8;
	[tilespmem:$0x1E800] =	vst v63  }
0xb7: {  	_ =	swait.ge [sflag:s29], $0x4000  }
0xb8: {  	[sflag:s29] =	ssyncset.done $0x0  }
0xb9: {  	s11 =	sadd.s32 $0x1480, s8;
	[sflag:s29] =	ssyncadd.s32 $0xFFFFC000  }
0xba: {  	[spmem:s2] =	stream.indirect.scatter.add.f32 [tilespmem:s26], [sflag:$0x3], $0x80, s11, s25, $0xb8;
	[tilespmem:$0x1E800] =	vst v63  }
0xbb: {  	_ =	swait.ge [sflag:s18], $0x4000  }
0xbc: {  	[sflag:s18] =	ssyncset.done $0x0  }
0xbd: {  	[sflag:s18] =	ssyncadd.s32 $0xFFFFC000  }
0xbe: {  	[tilespmem:s26], [sflag:$0x2] =	stream.indirect.gather [hbm4b:s4+s25], $0x80, s30, s25, $0xb8;
	[tilespmem:$0x1E800] =	vst v63  }
0xbf: {  	_ =	swait.ge [sflag:s28], $0x4000  }
0xc0: {  	[sflag:s28] =	ssyncset.done $0x0  }
0xc1: {  	[sflag:s28] =	ssyncadd.s32 $0xFFFFC000  }
0xc2: {  	[spmem:s2] =	stream.indirect.scatter.add.f32 [tilespmem:s17], [sflag:$0x3], $0x80, s31, s25, $0xb8;
	[tilespmem:$0x1E800] =	vst v63  }
0xc3: {  	_ =	swait.ge [sflag:s18], $0x4000  }
0xc4: {  	[sflag:s18] =	ssyncset.done $0x0  }
0xc5: {  	[sflag:s18] =	ssyncadd.s32 $0xFFFFC000  }
0xc6: {  	_ =	swait.ge [sflag:s29], $0x4000  }
0xc7: {  	[sflag:s29] =	ssyncset.done $0x0  }
0xc8: {  	[sflag:s29] =	ssyncadd.s32 $0xFFFFC000  }
0xc9: {  	[spmem:s2] =	stream.indirect.scatter.add.f32 [tilespmem:s26], [sflag:$0x3], $0x80, s1, s25, $0xb8;
	[tilespmem:$0x1E800] =	vst v63  }
0xca: {  	_ =	swait.ge [sflag:s18], $0x4000  }
0xcb: {  	[sflag:s18] =	ssyncset.done $0x0  }
0xcc: {  	[sflag:s18] =	ssyncadd.s32 $0xFFFFC000  }
0xcd: {  	[bflag:$0x0] =	sbarrier.arrive $0xFFFF  }
0xce: {  	[tilespmem:s17], [sflag:$0x3] =	stream.linear.gather [spmem:s5], $0x4000, $0x38;
	[tilespmem:$0x1E800] =	vst v63  }
0xcf: {  	_ =	swait.ge [sflag:s18], $0x4000  }
0xd0: {  	[sflag:s18] =	ssyncset.done $0x0  }
0xd1: {  	[sflag:s18] =	ssyncadd.s32 $0xFFFFC000  }
0xd2: {  	[hbm4b:s20+s3] =	stream.linear.scatter [tilespmem:s17], [sflag:$0x3], $0x4000, $0x38;
	[tilespmem:$0x1E800] =	vst v63  }
0xd3: {  	_ =	swait.ge [sflag:s18], $0x4000  }
0xd4: {  	[sflag:s18] =	ssyncset.done $0x0  }
0xd5: {  	[sflag:s18] =	ssyncadd.s32 $0xFFFFC000  }
0xd6: {  	[tilespmem:s17], [sflag:$0x3] =	stream.linear.gather [spmem:s13], $0x4000, $0x38;
	[tilespmem:$0x1E800] =	vst v63  }
0xd7: {  	_ =	swait.ge [sflag:s18], $0x4000  }
0xd8: {  	[sflag:s18] =	ssyncset.done $0x0  }
0xd9: {  	[sflag:s18] =	ssyncadd.s32 $0xFFFFC000  }
0xda: {  	[hbm4b:s21+s3] =	stream.linear.scatter [tilespmem:s17], [sflag:$0x3], $0x4000, $0x38;
	[tilespmem:$0x1E800] =	vst v63  }
0xdb: {  	_ =	swait.ge [sflag:s18], $0x4000  }
0xdc: {  	[sflag:s18] =	ssyncset.done $0x0  }
0xdd: {  	[sflag:s18] =	ssyncadd.s32 $0xFFFFC000  }
0xde: {  	[tilespmem:s17], [sflag:$0x3] =	stream.linear.gather [spmem:s14], $0x4000, $0x38;
	[tilespmem:$0x1E800] =	vst v63  }
0xdf: {  	_ =	swait.ge [sflag:s18], $0x4000  }
0xe0: {  	[sflag:s18] =	ssyncset.done $0x0  }
0xe1: {  	[sflag:s18] =	ssyncadd.s32 $0xFFFFC000  }
0xe2: {  	[hbm4b:s22+s3] =	stream.linear.scatter [tilespmem:s17], [sflag:$0x3], $0x4000, $0x38;
	[tilespmem:$0x1E800] =	vst v63  }
0xe3: {  	_ =	swait.ge [sflag:s18], $0x4000  }
0xe4: {  	[sflag:s18] =	ssyncset.done $0x0  }
0xe5: {  	[sflag:s18] =	ssyncadd.s32 $0xFFFFC000  }
0xe6: {  	[tilespmem:s17], [sflag:$0x3] =	stream.linear.gather [spmem:s15], $0x4000, $0x38;
	[tilespmem:$0x1E800] =	vst v63  }
0xe7: {  	_ =	swait.ge [sflag:s18], $0x4000  }
0xe8: {  	[sflag:s18] =	ssyncset.done $0x0  }
0xe9: {  	[sflag:s18] =	ssyncadd.s32 $0xFFFFC000  }
0xea: {  	[hbm4b:s23+s3] =	stream.linear.scatter [tilespmem:s17], [sflag:$0x3], $0x4000, $0x38;
	[tilespmem:$0x1E800] =	vst v63  }
0xeb: {  	_ =	swait.ge [sflag:s18], $0x4000  }
0xec: {  	[sflag:s18] =	ssyncset.done $0x0  }
0xed: {  	[sflag:s18] =	ssyncadd.s32 $0xFFFFC000  }
0xee: {  	[tilespmem:s17], [sflag:$0x3] =	stream.linear.gather [spmem:s16], $0x4000, $0x38;
	[tilespmem:$0x1E800] =	vst v63  }
0xef: {  	_ =	swait.ge [sflag:s18], $0x4000  }
0xf0: {  	[sflag:s18] =	ssyncset.done $0x0  }
0xf1: {  	[sflag:s18] =	ssyncadd.s32 $0xFFFFC000  }
0xf2: {  	[hbm4b:s24+s3] =	stream.linear.scatter [tilespmem:s17], [sflag:$0x3], $0x4000, $0x38;
	[tilespmem:$0x1E800] =	vst v63  }
0xf3: {  	_ =	swait.ge [sflag:s18], $0x4000  }
0xf4: {  	s0 =	sadd.s32 $0x1, s0;
	s12 =	rddreg [dreg:$0x4]  }
0xf5: {  	p0 =	sne.s32 s0, s12  }
.Ltmp3:
0xf6: {  	_ = 	snop;
	(pc) =	sbr.rel @p0 .LBB2_1-.Ltmp3, $3  }
0xf7: {  	_ =	sdelay $0x1  }
0xf8: {  	[sflag:s18] =	ssyncset.done $0x0  }
0xf9: {  	[sflag:s18] =	ssyncadd.s32 $0xFFFFC000  }
0xfa: {  	_ =	sfence.sel $0x180000  }
0xfb: {  	[bflag:$0x0] =	sbarrier.arrive $0xFFFF  }
0xfc: {  	_ =	strace $0x9000004A  }
0xfd: {  	s0 =	stileid.u32;
	[bflag:$0x2] =	sbarrier.arrive $0xFFFF  }
0xfe: {  	p0 =	sne.s32 s0, $0x0;
	s0 =	rddreg [dreg:$0x3]  }
0xff: {  	s0 =	sadd.s32 @!p0 $0x100000, s0  }
0x100: {  	[sflag:s0] =	ssyncadd.tile.s32 @!p0 $0x1;
	_ =	shalt  }
.Lfunc_end2:
_tile_overlayer_lowered:
.L_overlay_start_2:
0x101: {  	(tag) =	ssettag $0x2  }
0x102: {  	s0 =	rddreg [dreg:$0x0];
	s2 =	stileid.u32  }
0x103: {  	s1 =	rddreg [dreg:$0x1];
	p0 =	sne.s32 s2, $0x0  }
0x104: {  	s3 =	rddreg [dreg:$0x2];
	[bflag:$0x3] =	sbarrier.arrive $0xFFFF;
	s2 =	simm.s32 @!p0 $0x1C03  }
0x105: {  	[timem:s3], [sflag:s2] =	dma.local @!p0 [hbm:s0], s1  }
0x106: {  	s0 =	simm.s32 @!p0 $0x3  }
0x107: {  	_ =	swait.ge @!p0 [sflag:s0], s1  }
0x108: {  	s1 =	ssub.s32 @!p0 $0x0, s1;
	[sflag:s0] =	ssyncset.done @!p0 $0x0  }
0x109: {  	[sflag:s0] =	ssyncadd.s32 @!p0 s1  }
0x10a: {  	[bflag:$0x3] =	sbarrier.arrive $0xFFFF  }
0x10b: {  	_ =	shalt  }

</sc_bundles>
